<compile_context>
chip_gen: v7x
topology: tpu7x:2x2x1
jax: 0.10.2.dev20260603
libtpu: 0.0.44.dev20260713+nightly
codegen_flags: <defaults>
</compile_context>

<pallas_src>
import functools

import jax
import jax.numpy as jnp
from jax import lax
from jax.experimental import pallas as pl
from jax.experimental.pallas import tpu as pltpu
from jax.experimental.pallas import tpu_sc as plsc

NC = 2
NS = 16
NW = NC * NS

R = 16384
S = 50
D = 32
BLK = 128
R_PER_W = R // NW
N_BLKS = R_PER_W // BLK
L = 16
BLKP = 136

_mesh = plsc.VectorSubcoreMesh(
    core_axis_name="c", subcore_axis_name="s", num_cores=NC, num_subcores=NS
)


@functools.partial(
    pl.kernel,
    out_type=jax.ShapeDtypeStruct((S, D, R), jnp.float32),
    mesh=_mesh,
    scratch_types=[
        pltpu.VMEM((BLK, S), jnp.int32),
        pltpu.VMEM((S, BLKP), jnp.int32),
        pltpu.VMEM((BLK, D), jnp.float32),
        pltpu.VMEM((BLK, D), jnp.float32),
        pltpu.VMEM((D, BLKP), jnp.float32),
        pltpu.VMEM((D, BLKP), jnp.float32),
        pltpu.SemaphoreType.DMA,
        pltpu.SemaphoreType.DMA,
        pltpu.SemaphoreType.DMA,
        pltpu.SemaphoreType.DMA,
        pltpu.SemaphoreType.DMA,
    ],
    compiler_params=pltpu.CompilerParams(
        use_tc_tiling_on_sc=False, needs_layout_passes=False
    ),
)
def _gather_kernel(
    x_hbm, table_hbm, out_hbm,
    xv, idxT, rows0, rows1, rT0, rT1, xs, g0, g1, o0, o1
):
    wid = lax.axis_index("s") * NC + lax.axis_index("c")
    base = wid * R_PER_W
    lanes = lax.iota(jnp.int32, L)

    def fire(j, rows, sem):
        pltpu.async_copy(table_hbm.at[idxT.at[j, pl.ds(0, BLK)]], rows, sem)

    def wait_gather(rows, sem):
        pltpu.make_async_copy(
            table_hbm.at[idxT.at[0, pl.ds(0, BLK)]], rows, sem
        ).wait()

    def transpose_rows(rows, rT):
        @pl.loop(0, BLK, unroll=16)
        def _(t):
            t_ids = jnp.full((L,), t, jnp.int32)
            for k0 in (0, 16):
                v = rows[t, pl.ds(k0, L)]
                plsc.store_scatter(rT, [k0 + lanes, t_ids], v)

    def writeback(j, i0, rT, sem):
        pltpu.async_copy(
            rT.at[:, pl.ds(0, BLK)], out_hbm.at[j, :, pl.ds(i0, BLK)], sem
        )

    def wait_writeback(rT, sem):
        pltpu.make_async_copy(
            rT.at[:, pl.ds(0, BLK)], out_hbm.at[0, :, pl.ds(0, BLK)], sem
        ).wait()

    @pl.loop(0, N_BLKS)
    def _block(b):
        i0 = base + b * BLK
        pltpu.async_copy(x_hbm.at[pl.ds(i0, BLK)], xv, xs)
        pltpu.make_async_copy(x_hbm.at[pl.ds(0, BLK)], xv, xs).wait()

        @pl.loop(0, S)
        def _idx_t(j):
            j_ids = jnp.full((L,), j, jnp.int32)
            for l in range(BLK // L):
                v = plsc.load_gather(xv, [l * L + lanes, j_ids])
                plsc.store_scatter(idxT, [j_ids, l * L + lanes], v)

        fire(0, rows0, g0)

        @pl.loop(0, S, step=2)
        def _pipe(j):
            fire(j + 1, rows1, g1)
            wait_gather(rows0, g0)

            @pl.when(j > 0)
            def _():
                wait_writeback(rT0, o0)

            transpose_rows(rows0, rT0)
            writeback(j, i0, rT0, o0)

            @pl.when(j + 2 < S)
            def _():
                fire(j + 2, rows0, g0)

            wait_gather(rows1, g1)

            @pl.when(j > 0)
            def _():
                wait_writeback(rT1, o1)

            transpose_rows(rows1, rT1)
            writeback(j + 1, i0, rT1, o1)

        wait_writeback(rT0, o0)
        wait_writeback(rT1, o1)


def kernel(x, table):
    return _gather_kernel(x, table).transpose(2, 0, 1)

# --- scband reference (transcript-rebuilt; emitter-appended) ---
"""Pipeline reference for scband-token-embeddings-62964220559478 (READ-ONLY COPY).

The authoritative reference and input builder live on the scoring server;
editing this copy changes nothing except your own understanding.
"""

import jax, jax.numpy as jnp
import numpy as np

VOCABULARY_SIZE = 1000000
EMBEDDING_DIM = 32

def setup_inputs(seed: int = 0) -> dict:
    key = jax.random.key(seed)
    k_idx, k_tab = jax.random.split(key)
    x = jax.random.randint(k_idx, (16384, 50), 0, VOCABULARY_SIZE, dtype=jnp.int64 if jax.config.jax_enable_x64 else jnp.int32)
    table = jax.random.normal(k_tab, (VOCABULARY_SIZE, EMBEDDING_DIM), dtype=jnp.float32)
    return {"x": x, "table": table}

def reference(x, table):
    # nn.Embedding forward: row gather from the embedding table
    return jnp.take(table, x, axis=0)

if __name__ == "__main__":
    import jax
    _d = setup_inputs()
    print(jax.jit(kernel)(*tuple(_d.values())))

</pallas_src>

<mosaic_0001>
#map = affine_map<(d0, d1) -> (0, 0)>
#map1 = affine_map<(d0, d1) -> (0, 0, 0)>
module attributes {stable_mosaic.version = 14 : i64} {
  func.func @_gather_kernel(%arg0: i32, %arg1: i32, %arg2: memref<16384x50xi32, #tpu.memory_space<hbm>>, %arg3: memref<1000000x32xf32, #tpu.memory_space<hbm>>, %arg4: memref<50x32x16384xf32, #tpu.memory_space<hbm>>, %arg5: memref<128x50xi32, #tpu.memory_space<vmem>>, %arg6: memref<50x136xi32, #tpu.memory_space<vmem>>, %arg7: memref<128x32xf32, #tpu.memory_space<vmem>>, %arg8: memref<128x32xf32, #tpu.memory_space<vmem>>, %arg9: memref<32x136xf32, #tpu.memory_space<vmem>>, %arg10: memref<32x136xf32, #tpu.memory_space<vmem>>, %arg11: memref<!tpu.dma_semaphore, #tpu.memory_space<semaphore_mem>>, %arg12: memref<!tpu.dma_semaphore, #tpu.memory_space<semaphore_mem>>, %arg13: memref<!tpu.dma_semaphore, #tpu.memory_space<semaphore_mem>>, %arg14: memref<!tpu.dma_semaphore, #tpu.memory_space<semaphore_mem>>, %arg15: memref<!tpu.dma_semaphore, #tpu.memory_space<semaphore_mem>>) attributes {dimension_semantics = [#tpu.dimension_semantics<core_parallel>, #tpu.dimension_semantics<subcore_parallel>], iteration_bounds = array<i64: 2, 16>, scalar_prefetch = 0 : i64, scratch_operands = 11 : i64, tpu.core_type = #tpu.core_type<sc_vector_subcore>, window_params = [{transform_indices = #map}, {transform_indices = #map}, {transform_indices = #map1}]} {
    %mul3A = arith.constant 2 : i32
    %mul3A_0 = arith.muli %arg1, %mul3A : i32
    %add3A = arith.addi %mul3A_0, %arg0 : i32
    %mul3A_1 = arith.constant 512 : i32
    %mul3A_2 = arith.muli %add3A, %mul3A_1 : i32
    %iota3A = tpu.iota {dimensions = array<i32: 0>} : vector<16xi32>
    %scan3A = arith.constant 0 : i32
    %scan3A_3 = arith.constant 4 : i32
    %scan3A_4 = arith.addi %scan3A, %scan3A_3 : i32
    %scan3A_5 = arith.constant 1 : i32
    scf.for %scan3A_7 = %scan3A to %scan3A_4 step %scan3A_5  : i32 {
      %mul3A_8 = arith.constant 1 : i32
      %mul3A_9 = arith.muli %scan3A_7, %mul3A_8 : i32
      %add3A_10 = arith.constant 0 : i32
      %add3A_11 = arith.addi %add3A_10, %mul3A_9 : i32
      %mul3A_12 = arith.constant 128 : i32
      %mul3A_13 = arith.muli %add3A_11, %mul3A_12 : i32
      %add3A_14 = arith.addi %mul3A_2, %mul3A_13 : i32
      %dma_start3A = arith.constant 0 : i32
      %dma_start3A_15 = tpu.memref_slice %arg2[%add3A_14, %dma_start3A] : memref<16384x50xi32, #tpu.memory_space<hbm>> -> memref<128x50xi32, #tpu.memory_space<hbm>>
      %dma_start3A_16 = arith.constant 0 : i32
      %dma_start3A_17 = tpu.memref_slice %arg2[%add3A_14, %dma_start3A_16] : memref<16384x50xi32, #tpu.memory_space<hbm>> -> memref<128x50xi32, #tpu.memory_space<hbm>>
      tpu.enqueue_dma source(%dma_start3A_17 : memref<128x50xi32, #tpu.memory_space<hbm>>) target(%arg5 : memref<128x50xi32, #tpu.memory_space<vmem>>) target_semaphore(%arg11 : memref<!tpu.dma_semaphore, #tpu.memory_space<semaphore_mem>>)
      %dma_wait3A = arith.constant 0 : i32
      %dma_wait3A_18 = arith.constant 0 : i32
      %dma_wait3A_19 = tpu.memref_slice %arg2[%dma_wait3A, %dma_wait3A_18] : memref<16384x50xi32, #tpu.memory_space<hbm>> -> memref<128x50xi32, #tpu.memory_space<hbm>>
      %dma_wait3A_20 = arith.constant 0 : i32
      %dma_wait3A_21 = arith.constant 0 : i32
      %dma_wait3A_22 = tpu.memref_slice %arg2[%dma_wait3A_20, %dma_wait3A_21] : memref<16384x50xi32, #tpu.memory_space<hbm>> -> memref<128x50xi32, #tpu.memory_space<hbm>>
      tpu.wait_dma2 semaphore(%arg11 : memref<!tpu.dma_semaphore, #tpu.memory_space<semaphore_mem>>) src(%dma_wait3A_22 : memref<128x50xi32, #tpu.memory_space<hbm>>) dst(%arg5 : memref<128x50xi32, #tpu.memory_space<vmem>>)
      %scan3A_23 = arith.constant 0 : i32
      %scan3A_24 = arith.constant 50 : i32
      %scan3A_25 = arith.addi %scan3A_23, %scan3A_24 : i32
      %scan3A_26 = arith.constant 1 : i32
      scf.for %scan3A_70 = %scan3A_23 to %scan3A_25 step %scan3A_26  : i32 {
        %mul3A_71 = arith.constant 1 : i32
        %mul3A_72 = arith.muli %scan3A_70, %mul3A_71 : i32
        %add3A_73 = arith.constant 0 : i32
        %add3A_74 = arith.addi %add3A_73, %mul3A_72 : i32
        %broadcast_in_dim3A = vector.broadcast %add3A_74 : i32 to vector<16xi32>
        %add3A_75 = arith.constant 0 : i32
        %add3A_76 = vector.broadcast %add3A_75 : i32 to vector<16xi32>
        %add3A_77 = arith.addi %add3A_76, %iota3A : vector<16xi32>
        %gather3A = tpu.vector_load_idx %arg5[%add3A_77, %broadcast_in_dim3A] : memref<128x50xi32, #tpu.memory_space<vmem>>[vector<16xi32>, vector<16xi32>], vector<16xi32>,
        %add3A_78 = arith.constant 0 : i32
        %add3A_79 = vector.broadcast %add3A_78 : i32 to vector<16xi32>
        %add3A_80 = arith.addi %add3A_79, %iota3A : vector<16xi32>
        tpu.vector_store_idx %arg6[%broadcast_in_dim3A, %add3A_80], %gather3A : memref<50x136xi32, #tpu.memory_space<vmem>>[vector<16xi32>, vector<16xi32>], vector<16xi32>,
        %add3A_81 = arith.constant 16 : i32
        %add3A_82 = vector.broadcast %add3A_81 : i32 to vector<16xi32>
        %add3A_83 = arith.addi %add3A_82, %iota3A : vector<16xi32>
        %gather3A_84 = tpu.vector_load_idx %arg5[%add3A_83, %broadcast_in_dim3A] : memref<128x50xi32, #tpu.memory_space<vmem>>[vector<16xi32>, vector<16xi32>], vector<16xi32>,
        %add3A_85 = arith.constant 16 : i32
        %add3A_86 = vector.broadcast %add3A_85 : i32 to vector<16xi32>
        %add3A_87 = arith.addi %add3A_86, %iota3A : vector<16xi32>
        tpu.vector_store_idx %arg6[%broadcast_in_dim3A, %add3A_87], %gather3A_84 : memref<50x136xi32, #tpu.memory_space<vmem>>[vector<16xi32>, vector<16xi32>], vector<16xi32>,
        %add3A_88 = arith.constant 32 : i32
        %add3A_89 = vector.broadcast %add3A_88 : i32 to vector<16xi32>
        %add3A_90 = arith.addi %add3A_89, %iota3A : vector<16xi32>
        %gather3A_91 = tpu.vector_load_idx %arg5[%add3A_90, %broadcast_in_dim3A] : memref<128x50xi32, #tpu.memory_space<vmem>>[vector<16xi32>, vector<16xi32>], vector<16xi32>,
        %add3A_92 = arith.constant 32 : i32
        %add3A_93 = vector.broadcast %add3A_92 : i32 to vector<16xi32>
        %add3A_94 = arith.addi %add3A_93, %iota3A : vector<16xi32>
        tpu.vector_store_idx %arg6[%broadcast_in_dim3A, %add3A_94], %gather3A_91 : memref<50x136xi32, #tpu.memory_space<vmem>>[vector<16xi32>, vector<16xi32>], vector<16xi32>,
        %add3A_95 = arith.constant 48 : i32
        %add3A_96 = vector.broadcast %add3A_95 : i32 to vector<16xi32>
        %add3A_97 = arith.addi %add3A_96, %iota3A : vector<16xi32>
        %gather3A_98 = tpu.vector_load_idx %arg5[%add3A_97, %broadcast_in_dim3A] : memref<128x50xi32, #tpu.memory_space<vmem>>[vector<16xi32>, vector<16xi32>], vector<16xi32>,
        %add3A_99 = arith.constant 48 : i32
        %add3A_100 = vector.broadcast %add3A_99 : i32 to vector<16xi32>
        %add3A_101 = arith.addi %add3A_100, %iota3A : vector<16xi32>
        tpu.vector_store_idx %arg6[%broadcast_in_dim3A, %add3A_101], %gather3A_98 : memref<50x136xi32, #tpu.memory_space<vmem>>[vector<16xi32>, vector<16xi32>], vector<16xi32>,
        %add3A_102 = arith.constant 64 : i32
        %add3A_103 = vector.broadcast %add3A_102 : i32 to vector<16xi32>
        %add3A_104 = arith.addi %add3A_103, %iota3A : vector<16xi32>
        %gather3A_105 = tpu.vector_load_idx %arg5[%add3A_104, %broadcast_in_dim3A] : memref<128x50xi32, #tpu.memory_space<vmem>>[vector<16xi32>, vector<16xi32>], vector<16xi32>,
        %add3A_106 = arith.constant 64 : i32
        %add3A_107 = vector.broadcast %add3A_106 : i32 to vector<16xi32>
        %add3A_108 = arith.addi %add3A_107, %iota3A : vector<16xi32>
        tpu.vector_store_idx %arg6[%broadcast_in_dim3A, %add3A_108], %gather3A_105 : memref<50x136xi32, #tpu.memory_space<vmem>>[vector<16xi32>, vector<16xi32>], vector<16xi32>,
        %add3A_109 = arith.constant 80 : i32
        %add3A_110 = vector.broadcast %add3A_109 : i32 to vector<16xi32>
        %add3A_111 = arith.addi %add3A_110, %iota3A : vector<16xi32>
        %gather3A_112 = tpu.vector_load_idx %arg5[%add3A_111, %broadcast_in_dim3A] : memref<128x50xi32, #tpu.memory_space<vmem>>[vector<16xi32>, vector<16xi32>], vector<16xi32>,
        %add3A_113 = arith.constant 80 : i32
        %add3A_114 = vector.broadcast %add3A_113 : i32 to vector<16xi32>
        %add3A_115 = arith.addi %add3A_114, %iota3A : vector<16xi32>
        tpu.vector_store_idx %arg6[%broadcast_in_dim3A, %add3A_115], %gather3A_112 : memref<50x136xi32, #tpu.memory_space<vmem>>[vector<16xi32>, vector<16xi32>], vector<16xi32>,
        %add3A_116 = arith.constant 96 : i32
        %add3A_117 = vector.broadcast %add3A_116 : i32 to vector<16xi32>
        %add3A_118 = arith.addi %add3A_117, %iota3A : vector<16xi32>
        %gather3A_119 = tpu.vector_load_idx %arg5[%add3A_118, %broadcast_in_dim3A] : memref<128x50xi32, #tpu.memory_space<vmem>>[vector<16xi32>, vector<16xi32>], vector<16xi32>,
        %add3A_120 = arith.constant 96 : i32
        %add3A_121 = vector.broadcast %add3A_120 : i32 to vector<16xi32>
        %add3A_122 = arith.addi %add3A_121, %iota3A : vector<16xi32>
        tpu.vector_store_idx %arg6[%broadcast_in_dim3A, %add3A_122], %gather3A_119 : memref<50x136xi32, #tpu.memory_space<vmem>>[vector<16xi32>, vector<16xi32>], vector<16xi32>,
        %add3A_123 = arith.constant 112 : i32
        %add3A_124 = vector.broadcast %add3A_123 : i32 to vector<16xi32>
        %add3A_125 = arith.addi %add3A_124, %iota3A : vector<16xi32>
        %gather3A_126 = tpu.vector_load_idx %arg5[%add3A_125, %broadcast_in_dim3A] : memref<128x50xi32, #tpu.memory_space<vmem>>[vector<16xi32>, vector<16xi32>], vector<16xi32>,
        %add3A_127 = arith.constant 112 : i32
        %add3A_128 = vector.broadcast %add3A_127 : i32 to vector<16xi32>
        %add3A_129 = arith.addi %add3A_128, %iota3A : vector<16xi32>
        tpu.vector_store_idx %arg6[%broadcast_in_dim3A, %add3A_129], %gather3A_126 : memref<50x136xi32, #tpu.memory_space<vmem>>[vector<16xi32>, vector<16xi32>], vector<16xi32>,
      }
      %scan3A_27 = arith.constant 50 : i32
      %dma_start3A_28 = arith.constant 0 : i32
      %dma_start3A_29 = arith.constant 0 : i32
      %dma_start3A_30 = tpu.memref_slice %arg6[%dma_start3A_28, %dma_start3A_29] : memref<50x136xi32, #tpu.memory_space<vmem>> -> memref<1x128xi32, #tpu.memory_space<vmem>>
      %dma_start3A_31 = tpu.memref_squeeze %dma_start3A_30 : memref<1x128xi32, #tpu.memory_space<vmem>> -> memref<128xi32, #tpu.memory_space<vmem>>
      %dma_start3A_32 = arith.constant 0 : i32
      %dma_start3A_33 = arith.constant 0 : i32
      %dma_start3A_34 = tpu.memref_slice %arg3[%dma_start3A_32, %dma_start3A_33] : memref<1000000x32xf32, #tpu.memory_space<hbm>> -> memref<1000000x32xf32, #tpu.memory_space<hbm>>
      tpu.enqueue_indirect_dma source(%dma_start3A_34 : memref<1000000x32xf32, #tpu.memory_space<hbm>>) target(%arg7 : memref<128x32xf32, #tpu.memory_space<vmem>>) offsets(%dma_start3A_31 : memref<128xi32, #tpu.memory_space<vmem>>) semaphore(%arg12 : memref<!tpu.dma_semaphore, #tpu.memory_space<semaphore_mem>>)
      %scan3A_35 = arith.constant 0 : i32
      %scan3A_36 = arith.constant 25 : i32
      %scan3A_37 = arith.addi %scan3A_35, %scan3A_36 : i32
      %scan3A_38 = arith.constant 1 : i32
      scf.for %scan3A_70 = %scan3A_35 to %scan3A_37 step %scan3A_38  : i32 {
        %mul3A_71 = arith.constant 2 : i32
        %mul3A_72 = arith.muli %scan3A_70, %mul3A_71 : i32
        %add3A_73 = arith.constant 0 : i32
        %add3A_74 = arith.addi %add3A_73, %mul3A_72 : i32
        %add3A_75 = arith.constant 1 : i32
        %add3A_76 = arith.addi %add3A_74, %add3A_75 : i32
        %dma_start3A_77 = arith.constant 0 : i32
        %dma_start3A_78 = tpu.memref_slice %arg6[%add3A_76, %dma_start3A_77] : memref<50x136xi32, #tpu.memory_space<vmem>> -> memref<1x128xi32, #tpu.memory_space<vmem>>
        %dma_start3A_79 = tpu.memref_squeeze %dma_start3A_78 : memref<1x128xi32, #tpu.memory_space<vmem>> -> memref<128xi32, #tpu.memory_space<vmem>>
        %dma_start3A_80 = arith.constant 0 : i32
        %dma_start3A_81 = arith.constant 0 : i32
        %dma_start3A_82 = tpu.memref_slice %arg3[%dma_start3A_80, %dma_start3A_81] : memref<1000000x32xf32, #tpu.memory_space<hbm>> -> memref<1000000x32xf32, #tpu.memory_space<hbm>>
        tpu.enqueue_indirect_dma source(%dma_start3A_82 : memref<1000000x32xf32, #tpu.memory_space<hbm>>) target(%arg8 : memref<128x32xf32, #tpu.memory_space<vmem>>) offsets(%dma_start3A_79 : memref<128xi32, #tpu.memory_space<vmem>>) semaphore(%arg13 : memref<!tpu.dma_semaphore, #tpu.memory_space<semaphore_mem>>)
        %dma_wait3A_83 = arith.constant 0 : i32
        %dma_wait3A_84 = arith.constant 0 : i32
        %dma_wait3A_85 = tpu.memref_slice %arg6[%dma_wait3A_83, %dma_wait3A_84] : memref<50x136xi32, #tpu.memory_space<vmem>> -> memref<1x128xi32, #tpu.memory_space<vmem>>
        %dma_wait3A_86 = tpu.memref_squeeze %dma_wait3A_85 : memref<1x128xi32, #tpu.memory_space<vmem>> -> memref<128xi32, #tpu.memory_space<vmem>>
        %dma_wait3A_87 = arith.constant 0 : i32
        %dma_wait3A_88 = arith.constant 0 : i32
        %dma_wait3A_89 = tpu.memref_slice %arg3[%dma_wait3A_87, %dma_wait3A_88] : memref<1000000x32xf32, #tpu.memory_space<hbm>> -> memref<1000000x32xf32, #tpu.memory_space<hbm>>
        tpu.wait_indirect_dma semaphore(%arg12 : memref<!tpu.dma_semaphore, #tpu.memory_space<semaphore_mem>>) src(%dma_wait3A_89 : memref<1000000x32xf32, #tpu.memory_space<hbm>>) dst(%arg7 : memref<128x32xf32, #tpu.memory_space<vmem>>)
        %gt3A = arith.constant 0 : i32
        %gt3A_90 = arith.cmpi sgt, %add3A_74, %gt3A : i32
        %convert_element_type3A = arith.extui %gt3A_90 : i1 to i32
        %cond3A = arith.constant 0 : i32
        %cond3A_91 = arith.cmpi ne, %convert_element_type3A, %cond3A : i32
        scf.if %cond3A_91 {
          %dma_wait3A_146 = arith.constant 0 : i32
          %dma_wait3A_147 = arith.constant 0 : i32
          %dma_wait3A_148 = arith.constant 0 : i32
          %dma_wait3A_149 = tpu.memref_slice %arg9[%dma_wait3A_147, %dma_wait3A_148] : memref<32x136xf32, #tpu.memory_space<vmem>> -> memref<32x128xf32, #tpu.memory_space<vmem>>
          %dma_wait3A_150 = arith.constant 0 : i32
          %dma_wait3A_151 = arith.constant 0 : i32
          %dma_wait3A_152 = tpu.memref_slice %arg4[%dma_wait3A_146, %dma_wait3A_150, %dma_wait3A_151] : memref<50x32x16384xf32, #tpu.memory_space<hbm>> -> memref<1x32x128xf32, #tpu.memory_space<hbm>>
          %dma_wait3A_153 = tpu.memref_squeeze %dma_wait3A_152 : memref<1x32x128xf32, #tpu.memory_space<hbm>> -> memref<32x128xf32, #tpu.memory_space<hbm>>
          %dma_wait3A_154 = arith.constant 0 : i32
          %dma_wait3A_155 = arith.constant 0 : i32
          %dma_wait3A_156 = tpu.memref_slice %arg4[%dma_wait3A_146, %dma_wait3A_154, %dma_wait3A_155] : memref<50x32x16384xf32, #tpu.memory_space<hbm>> -> memref<1x32x128xf32, #tpu.memory_space<hbm>>
          %dma_wait3A_157 = tpu.memref_squeeze %dma_wait3A_156 : memref<1x32x128xf32, #tpu.memory_space<hbm>> -> memref<32x128xf32, #tpu.memory_space<hbm>>
          %dma_wait3A_158 = arith.constant 0 : i32
          %dma_wait3A_159 = arith.constant 0 : i32
          %dma_wait3A_160 = tpu.memref_slice %arg9[%dma_wait3A_158, %dma_wait3A_159] : memref<32x136xf32, #tpu.memory_space<vmem>> -> memref<32x128xf32, #tpu.memory_space<vmem>>
          tpu.wait_dma2 semaphore(%arg14 : memref<!tpu.dma_semaphore, #tpu.memory_space<semaphore_mem>>) src(%dma_wait3A_160 : memref<32x128xf32, #tpu.memory_space<vmem>>) dst(%dma_wait3A_157 : memref<32x128xf32, #tpu.memory_space<hbm>>)
        } else {
        }
        %scan3A_92 = arith.constant 0 : i32
        %scan3A_93 = arith.constant 128 : i32
        %scan3A_94 = arith.addi %scan3A_92, %scan3A_93 : i32
        %scan3A_95 = arith.constant 16 : i32
        scf.for %scan3A_146 = %scan3A_92 to %scan3A_94 step %scan3A_95  : i32 {
          %mul3A_147 = arith.constant 1 : i32
          %mul3A_148 = arith.muli %scan3A_146, %mul3A_147 : i32
          %add3A_149 = arith.constant 0 : i32
          %add3A_150 = arith.addi %add3A_149, %mul3A_148 : i32
          %broadcast_in_dim3A = vector.broadcast %add3A_150 : i32 to vector<16xi32>
          %get3A = arith.index_cast %add3A_150 : i32 to index
          %get3A_151 = arith.constant 0 : index
          %get3A_152 = tpu.vector_load %arg7[%get3A, %get3A_151] {strides = array<i32>} : memref<128x32xf32, #tpu.memory_space<vmem>>, vector<16xf32>,
          %add3A_153 = arith.constant 0 : i32
          %add3A_154 = vector.broadcast %add3A_153 : i32 to vector<16xi32>
          %add3A_155 = arith.addi %add3A_154, %iota3A : vector<16xi32>
          tpu.vector_store_idx %arg9[%add3A_155, %broadcast_in_dim3A], %get3A_152 : memref<32x136xf32, #tpu.memory_space<vmem>>[vector<16xi32>, vector<16xi32>], vector<16xf32>,
          %get3A_156 = arith.index_cast %add3A_150 : i32 to index
          %get3A_157 = arith.constant 16 : index
          %get3A_158 = tpu.vector_load %arg7[%get3A_156, %get3A_157] {strides = array<i32>} : memref<128x32xf32, #tpu.memory_space<vmem>>, vector<16xf32>,
          %add3A_159 = arith.constant 16 : i32
          %add3A_160 = vector.broadcast %add3A_159 : i32 to vector<16xi32>
          %add3A_161 = arith.addi %add3A_160, %iota3A : vector<16xi32>
          tpu.vector_store_idx %arg9[%add3A_161, %broadcast_in_dim3A], %get3A_158 : memref<32x136xf32, #tpu.memory_space<vmem>>[vector<16xi32>, vector<16xi32>], vector<16xf32>,
          %scan3A_162 = arith.constant 1 : i32
          %scan3A_163 = arith.addi %scan3A_146, %scan3A_162 : i32
          %mul3A_164 = arith.constant 1 : i32
          %mul3A_165 = arith.muli %scan3A_163, %mul3A_164 : i32
          %add3A_166 = arith.constant 0 : i32
          %add3A_167 = arith.addi %add3A_166, %mul3A_165 : i32
          %broadcast_in_dim3A_168 = vector.broadcast %add3A_167 : i32 to vector<16xi32>
          %get3A_169 = arith.index_cast %add3A_167 : i32 to index
          %get3A_170 = arith.constant 0 : index
          %get3A_171 = tpu.vector_load %arg7[%get3A_169, %get3A_170] {strides = array<i32>} : memref<128x32xf32, #tpu.memory_space<vmem>>, vector<16xf32>,
          %add3A_172 = arith.constant 0 : i32
          %add3A_173 = vector.broadcast %add3A_172 : i32 to vector<16xi32>
          %add3A_174 = arith.addi %add3A_173, %iota3A : vector<16xi32>
          tpu.vector_store_idx %arg9[%add3A_174, %broadcast_in_dim3A_168], %get3A_171 : memref<32x136xf32, #tpu.memory_space<vmem>>[vector<16xi32>, vector<16xi32>], vector<16xf32>,
          %get3A_175 = arith.index_cast %add3A_167 : i32 to index
          %get3A_176 = arith.constant 16 : index
          %get3A_177 = tpu.vector_load %arg7[%get3A_175, %get3A_176] {strides = array<i32>} : memref<128x32xf32, #tpu.memory_space<vmem>>, vector<16xf32>,
          %add3A_178 = arith.constant 16 : i32
          %add3A_179 = vector.broadcast %add3A_178 : i32 to vector<16xi32>
          %add3A_180 = arith.addi %add3A_179, %iota3A : vector<16xi32>
          tpu.vector_store_idx %arg9[%add3A_180, %broadcast_in_dim3A_168], %get3A_177 : memref<32x136xf32, #tpu.memory_space<vmem>>[vector<16xi32>, vector<16xi32>], vector<16xf32>,
          %scan3A_181 = arith.constant 2 : i32
          %scan3A_182 = arith.addi %scan3A_146, %scan3A_181 : i32
          %mul3A_183 = arith.constant 1 : i32
          %mul3A_184 = arith.muli %scan3A_182, %mul3A_183 : i32
          %add3A_185 = arith.constant 0 : i32
          %add3A_186 = arith.addi %add3A_185, %mul3A_184 : i32
          %broadcast_in_dim3A_187 = vector.broadcast %add3A_186 : i32 to vector<16xi32>
          %get3A_188 = arith.index_cast %add3A_186 : i32 to index
          %get3A_189 = arith.constant 0 : index
          %get3A_190 = tpu.vector_load %arg7[%get3A_188, %get3A_189] {strides = array<i32>} : memref<128x32xf32, #tpu.memory_space<vmem>>, vector<16xf32>,
          %add3A_191 = arith.constant 0 : i32
          %add3A_192 = vector.broadcast %add3A_191 : i32 to vector<16xi32>
          %add3A_193 = arith.addi %add3A_192, %iota3A : vector<16xi32>
          tpu.vector_store_idx %arg9[%add3A_193, %broadcast_in_dim3A_187], %get3A_190 : memref<32x136xf32, #tpu.memory_space<vmem>>[vector<16xi32>, vector<16xi32>], vector<16xf32>,
          %get3A_194 = arith.index_cast %add3A_186 : i32 to index
          %get3A_195 = arith.constant 16 : index
          %get3A_196 = tpu.vector_load %arg7[%get3A_194, %get3A_195] {strides = array<i32>} : memref<128x32xf32, #tpu.memory_space<vmem>>, vector<16xf32>,
          %add3A_197 = arith.constant 16 : i32
          %add3A_198 = vector.broadcast %add3A_197 : i32 to vector<16xi32>
          %add3A_199 = arith.addi %add3A_198, %iota3A : vector<16xi32>
          tpu.vector_store_idx %arg9[%add3A_199, %broadcast_in_dim3A_187], %get3A_196 : memref<32x136xf32, #tpu.memory_space<vmem>>[vector<16xi32>, vector<16xi32>], vector<16xf32>,
          %scan3A_200 = arith.constant 3 : i32
          %scan3A_201 = arith.addi %scan3A_146, %scan3A_200 : i32
          %mul3A_202 = arith.constant 1 : i32
          %mul3A_203 = arith.muli %scan3A_201, %mul3A_202 : i32
          %add3A_204 = arith.constant 0 : i32
          %add3A_205 = arith.addi %add3A_204, %mul3A_203 : i32
          %broadcast_in_dim3A_206 = vector.broadcast %add3A_205 : i32 to vector<16xi32>
          %get3A_207 = arith.index_cast %add3A_205 : i32 to index
          %get3A_208 = arith.constant 0 : index
          %get3A_209 = tpu.vector_load %arg7[%get3A_207, %get3A_208] {strides = array<i32>} : memref<128x32xf32, #tpu.memory_space<vmem>>, vector<16xf32>,
          %add3A_210 = arith.constant 0 : i32
          %add3A_211 = vector.broadcast %add3A_210 : i32 to vector<16xi32>
          %add3A_212 = arith.addi %add3A_211, %iota3A : vector<16xi32>
          tpu.vector_store_idx %arg9[%add3A_212, %broadcast_in_dim3A_206], %get3A_209 : memref<32x136xf32, #tpu.memory_space<vmem>>[vector<16xi32>, vector<16xi32>], vector<16xf32>,
          %get3A_213 = arith.index_cast %add3A_205 : i32 to index
          %get3A_214 = arith.constant 16 : index
          %get3A_215 = tpu.vector_load %arg7[%get3A_213, %get3A_214] {strides = array<i32>} : memref<128x32xf32, #tpu.memory_space<vmem>>, vector<16xf32>,
          %add3A_216 = arith.constant 16 : i32
          %add3A_217 = vector.broadcast %add3A_216 : i32 to vector<16xi32>
          %add3A_218 = arith.addi %add3A_217, %iota3A : vector<16xi32>
          tpu.vector_store_idx %arg9[%add3A_218, %broadcast_in_dim3A_206], %get3A_215 : memref<32x136xf32, #tpu.memory_space<vmem>>[vector<16xi32>, vector<16xi32>], vector<16xf32>,
          %scan3A_219 = arith.constant 4 : i32
          %scan3A_220 = arith.addi %scan3A_146, %scan3A_219 : i32
          %mul3A_221 = arith.constant 1 : i32
          %mul3A_222 = arith.muli %scan3A_220, %mul3A_221 : i32
          %add3A_223 = arith.constant 0 : i32
          %add3A_224 = arith.addi %add3A_223, %mul3A_222 : i32
          %broadcast_in_dim3A_225 = vector.broadcast %add3A_224 : i32 to vector<16xi32>
          %get3A_226 = arith.index_cast %add3A_224 : i32 to index
          %get3A_227 = arith.constant 0 : index
          %get3A_228 = tpu.vector_load %arg7[%get3A_226, %get3A_227] {strides = array<i32>} : memref<128x32xf32, #tpu.memory_space<vmem>>, vector<16xf32>,
          %add3A_229 = arith.constant 0 : i32
          %add3A_230 = vector.broadcast %add3A_229 : i32 to vector<16xi32>
          %add3A_231 = arith.addi %add3A_230, %iota3A : vector<16xi32>
          tpu.vector_store_idx %arg9[%add3A_231, %broadcast_in_dim3A_225], %get3A_228 : memref<32x136xf32, #tpu.memory_space<vmem>>[vector<16xi32>, vector<16xi32>], vector<16xf32>,
          %get3A_232 = arith.index_cast %add3A_224 : i32 to index
          %get3A_233 = arith.constant 16 : index
          %get3A_234 = tpu.vector_load %arg7[%get3A_232, %get3A_233] {strides = array<i32>} : memref<128x32xf32, #tpu.memory_space<vmem>>, vector<16xf32>,
          %add3A_235 = arith.constant 16 : i32
          %add3A_236 = vector.broadcast %add3A_235 : i32 to vector<16xi32>
          %add3A_237 = arith.addi %add3A_236, %iota3A : vector<16xi32>
          tpu.vector_store_idx %arg9[%add3A_237, %broadcast_in_dim3A_225], %get3A_234 : memref<32x136xf32, #tpu.memory_space<vmem>>[vector<16xi32>, vector<16xi32>], vector<16xf32>,
          %scan3A_238 = arith.constant 5 : i32
          %scan3A_239 = arith.addi %scan3A_146, %scan3A_238 : i32
          %mul3A_240 = arith.constant 1 : i32
          %mul3A_241 = arith.muli %scan3A_239, %mul3A_240 : i32
          %add3A_242 = arith.constant 0 : i32
          %add3A_243 = arith.addi %add3A_242, %mul3A_241 : i32
          %broadcast_in_dim3A_244 = vector.broadcast %add3A_243 : i32 to vector<16xi32>
          %get3A_245 = arith.index_cast %add3A_243 : i32 to index
          %get3A_246 = arith.constant 0 : index
          %get3A_247 = tpu.vector_load %arg7[%get3A_245, %get3A_246] {strides = array<i32>} : memref<128x32xf32, #tpu.memory_space<vmem>>, vector<16xf32>,
          %add3A_248 = arith.constant 0 : i32
          %add3A_249 = vector.broadcast %add3A_248 : i32 to vector<16xi32>
          %add3A_250 = arith.addi %add3A_249, %iota3A : vector<16xi32>
          tpu.vector_store_idx %arg9[%add3A_250, %broadcast_in_dim3A_244], %get3A_247 : memref<32x136xf32, #tpu.memory_space<vmem>>[vector<16xi32>, vector<16xi32>], vector<16xf32>,
          %get3A_251 = arith.index_cast %add3A_243 : i32 to index
          %get3A_252 = arith.constant 16 : index
          %get3A_253 = tpu.vector_load %arg7[%get3A_251, %get3A_252] {strides = array<i32>} : memref<128x32xf32, #tpu.memory_space<vmem>>, vector<16xf32>,
          %add3A_254 = arith.constant 16 : i32
          %add3A_255 = vector.broadcast %add3A_254 : i32 to vector<16xi32>
          %add3A_256 = arith.addi %add3A_255, %iota3A : vector<16xi32>
          tpu.vector_store_idx %arg9[%add3A_256, %broadcast_in_dim3A_244], %get3A_253 : memref<32x136xf32, #tpu.memory_space<vmem>>[vector<16xi32>, vector<16xi32>], vector<16xf32>,
          %scan3A_257 = arith.constant 6 : i32
          %scan3A_258 = arith.addi %scan3A_146, %scan3A_257 : i32
          %mul3A_259 = arith.constant 1 : i32
          %mul3A_260 = arith.muli %scan3A_258, %mul3A_259 : i32
          %add3A_261 = arith.constant 0 : i32
          %add3A_262 = arith.addi %add3A_261, %mul3A_260 : i32
          %broadcast_in_dim3A_263 = vector.broadcast %add3A_262 : i32 to vector<16xi32>
          %get3A_264 = arith.index_cast %add3A_262 : i32 to index
          %get3A_265 = arith.constant 0 : index
          %get3A_266 = tpu.vector_load %arg7[%get3A_264, %get3A_265] {strides = array<i32>} : memref<128x32xf32, #tpu.memory_space<vmem>>, vector<16xf32>,
          %add3A_267 = arith.constant 0 : i32
          %add3A_268 = vector.broadcast %add3A_267 : i32 to vector<16xi32>
          %add3A_269 = arith.addi %add3A_268, %iota3A : vector<16xi32>
          tpu.vector_store_idx %arg9[%add3A_269, %broadcast_in_dim3A_263], %get3A_266 : memref<32x136xf32, #tpu.memory_space<vmem>>[vector<16xi32>, vector<16xi32>], vector<16xf32>,
          %get3A_270 = arith.index_cast %add3A_262 : i32 to index
          %get3A_271 = arith.constant 16 : index
          %get3A_272 = tpu.vector_load %arg7[%get3A_270, %get3A_271] {strides = array<i32>} : memref<128x32xf32, #tpu.memory_space<vmem>>, vector<16xf32>,
          %add3A_273 = arith.constant 16 : i32
          %add3A_274 = vector.broadcast %add3A_273 : i32 to vector<16xi32>
          %add3A_275 = arith.addi %add3A_274, %iota3A : vector<16xi32>
          tpu.vector_store_idx %arg9[%add3A_275, %broadcast_in_dim3A_263], %get3A_272 : memref<32x136xf32, #tpu.memory_space<vmem>>[vector<16xi32>, vector<16xi32>], vector<16xf32>,
          %scan3A_276 = arith.constant 7 : i32
          %scan3A_277 = arith.addi %scan3A_146, %scan3A_276 : i32
          %mul3A_278 = arith.constant 1 : i32
          %mul3A_279 = arith.muli %scan3A_277, %mul3A_278 : i32
          %add3A_280 = arith.constant 0 : i32
          %add3A_281 = arith.addi %add3A_280, %mul3A_279 : i32
          %broadcast_in_dim3A_282 = vector.broadcast %add3A_281 : i32 to vector<16xi32>
          %get3A_283 = arith.index_cast %add3A_281 : i32 to index
          %get3A_284 = arith.constant 0 : index
          %get3A_285 = tpu.vector_load %arg7[%get3A_283, %get3A_284] {strides = array<i32>} : memref<128x32xf32, #tpu.memory_space<vmem>>, vector<16xf32>,
          %add3A_286 = arith.constant 0 : i32
          %add3A_287 = vector.broadcast %add3A_286 : i32 to vector<16xi32>
          %add3A_288 = arith.addi %add3A_287, %iota3A : vector<16xi32>
          tpu.vector_store_idx %arg9[%add3A_288, %broadcast_in_dim3A_282], %get3A_285 : memref<32x136xf32, #tpu.memory_space<vmem>>[vector<16xi32>, vector<16xi32>], vector<16xf32>,
          %get3A_289 = arith.index_cast %add3A_281 : i32 to index
          %get3A_290 = arith.constant 16 : index
          %get3A_291 = tpu.vector_load %arg7[%get3A_289, %get3A_290] {strides = array<i32>} : memref<128x32xf32, #tpu.memory_space<vmem>>, vector<16xf32>,
          %add3A_292 = arith.constant 16 : i32
          %add3A_293 = vector.broadcast %add3A_292 : i32 to vector<16xi32>
          %add3A_294 = arith.addi %add3A_293, %iota3A : vector<16xi32>
          tpu.vector_store_idx %arg9[%add3A_294, %broadcast_in_dim3A_282], %get3A_291 : memref<32x136xf32, #tpu.memory_space<vmem>>[vector<16xi32>, vector<16xi32>], vector<16xf32>,
          %scan3A_295 = arith.constant 8 : i32
          %scan3A_296 = arith.addi %scan3A_146, %scan3A_295 : i32
          %mul3A_297 = arith.constant 1 : i32
          %mul3A_298 = arith.muli %scan3A_296, %mul3A_297 : i32
          %add3A_299 = arith.constant 0 : i32
          %add3A_300 = arith.addi %add3A_299, %mul3A_298 : i32
          %broadcast_in_dim3A_301 = vector.broadcast %add3A_300 : i32 to vector<16xi32>
          %get3A_302 = arith.index_cast %add3A_300 : i32 to index
          %get3A_303 = arith.constant 0 : index
          %get3A_304 = tpu.vector_load %arg7[%get3A_302, %get3A_303] {strides = array<i32>} : memref<128x32xf32, #tpu.memory_space<vmem>>, vector<16xf32>,
          %add3A_305 = arith.constant 0 : i32
          %add3A_306 = vector.broadcast %add3A_305 : i32 to vector<16xi32>
          %add3A_307 = arith.addi %add3A_306, %iota3A : vector<16xi32>
          tpu.vector_store_idx %arg9[%add3A_307, %broadcast_in_dim3A_301], %get3A_304 : memref<32x136xf32, #tpu.memory_space<vmem>>[vector<16xi32>, vector<16xi32>], vector<16xf32>,
          %get3A_308 = arith.index_cast %add3A_300 : i32 to index
          %get3A_309 = arith.constant 16 : index
          %get3A_310 = tpu.vector_load %arg7[%get3A_308, %get3A_309] {strides = array<i32>} : memref<128x32xf32, #tpu.memory_space<vmem>>, vector<16xf32>,
          %add3A_311 = arith.constant 16 : i32
          %add3A_312 = vector.broadcast %add3A_311 : i32 to vector<16xi32>
          %add3A_313 = arith.addi %add3A_312, %iota3A : vector<16xi32>
          tpu.vector_store_idx %arg9[%add3A_313, %broadcast_in_dim3A_301], %get3A_310 : memref<32x136xf32, #tpu.memory_space<vmem>>[vector<16xi32>, vector<16xi32>], vector<16xf32>,
          %scan3A_314 = arith.constant 9 : i32
          %scan3A_315 = arith.addi %scan3A_146, %scan3A_314 : i32
          %mul3A_316 = arith.constant 1 : i32
          %mul3A_317 = arith.muli %scan3A_315, %mul3A_316 : i32
          %add3A_318 = arith.constant 0 : i32
          %add3A_319 = arith.addi %add3A_318, %mul3A_317 : i32
          %broadcast_in_dim3A_320 = vector.broadcast %add3A_319 : i32 to vector<16xi32>
          %get3A_321 = arith.index_cast %add3A_319 : i32 to index
          %get3A_322 = arith.constant 0 : index
          %get3A_323 = tpu.vector_load %arg7[%get3A_321, %get3A_322] {strides = array<i32>} : memref<128x32xf32, #tpu.memory_space<vmem>>, vector<16xf32>,
          %add3A_324 = arith.constant 0 : i32
          %add3A_325 = vector.broadcast %add3A_324 : i32 to vector<16xi32>
          %add3A_326 = arith.addi %add3A_325, %iota3A : vector<16xi32>
          tpu.vector_store_idx %arg9[%add3A_326, %broadcast_in_dim3A_320], %get3A_323 : memref<32x136xf32, #tpu.memory_space<vmem>>[vector<16xi32>, vector<16xi32>], vector<16xf32>,
          %get3A_327 = arith.index_cast %add3A_319 : i32 to index
          %get3A_328 = arith.constant 16 : index
          %get3A_329 = tpu.vector_load %arg7[%get3A_327, %get3A_328] {strides = array<i32>} : memref<128x32xf32, #tpu.memory_space<vmem>>, vector<16xf32>,
          %add3A_330 = arith.constant 16 : i32
          %add3A_331 = vector.broadcast %add3A_330 : i32 to vector<16xi32>
          %add3A_332 = arith.addi %add3A_331, %iota3A : vector<16xi32>
          tpu.vector_store_idx %arg9[%add3A_332, %broadcast_in_dim3A_320], %get3A_329 : memref<32x136xf32, #tpu.memory_space<vmem>>[vector<16xi32>, vector<16xi32>], vector<16xf32>,
          %scan3A_333 = arith.constant 10 : i32
          %scan3A_334 = arith.addi %scan3A_146, %scan3A_333 : i32
          %mul3A_335 = arith.constant 1 : i32
          %mul3A_336 = arith.muli %scan3A_334, %mul3A_335 : i32
          %add3A_337 = arith.constant 0 : i32
          %add3A_338 = arith.addi %add3A_337, %mul3A_336 : i32
          %broadcast_in_dim3A_339 = vector.broadcast %add3A_338 : i32 to vector<16xi32>
          %get3A_340 = arith.index_cast %add3A_338 : i32 to index
          %get3A_341 = arith.constant 0 : index
          %get3A_342 = tpu.vector_load %arg7[%get3A_340, %get3A_341] {strides = array<i32>} : memref<128x32xf32, #tpu.memory_space<vmem>>, vector<16xf32>,
          %add3A_343 = arith.constant 0 : i32
          %add3A_344 = vector.broadcast %add3A_343 : i32 to vector<16xi32>
          %add3A_345 = arith.addi %add3A_344, %iota3A : vector<16xi32>
          tpu.vector_store_idx %arg9[%add3A_345, %broadcast_in_dim3A_339], %get3A_342 : memref<32x136xf32, #tpu.memory_space<vmem>>[vector<16xi32>, vector<16xi32>], vector<16xf32>,
          %get3A_346 = arith.index_cast %add3A_338 : i32 to index
          %get3A_347 = arith.constant 16 : index
          %get3A_348 = tpu.vector_load %arg7[%get3A_346, %get3A_347] {strides = array<i32>} : memref<128x32xf32, #tpu.memory_space<vmem>>, vector<16xf32>,
          %add3A_349 = arith.constant 16 : i32
          %add3A_350 = vector.broadcast %add3A_349 : i32 to vector<16xi32>
          %add3A_351 = arith.addi %add3A_350, %iota3A : vector<16xi32>
          tpu.vector_store_idx %arg9[%add3A_351, %broadcast_in_dim3A_339], %get3A_348 : memref<32x136xf32, #tpu.memory_space<vmem>>[vector<16xi32>, vector<16xi32>], vector<16xf32>,
          %scan3A_352 = arith.constant 11 : i32
          %scan3A_353 = arith.addi %scan3A_146, %scan3A_352 : i32
          %mul3A_354 = arith.constant 1 : i32
          %mul3A_355 = arith.muli %scan3A_353, %mul3A_354 : i32
          %add3A_356 = arith.constant 0 : i32
          %add3A_357 = arith.addi %add3A_356, %mul3A_355 : i32
          %broadcast_in_dim3A_358 = vector.broadcast %add3A_357 : i32 to vector<16xi32>
          %get3A_359 = arith.index_cast %add3A_357 : i32 to index
          %get3A_360 = arith.constant 0 : index
          %get3A_361 = tpu.vector_load %arg7[%get3A_359, %get3A_360] {strides = array<i32>} : memref<128x32xf32, #tpu.memory_space<vmem>>, vector<16xf32>,
          %add3A_362 = arith.constant 0 : i32
          %add3A_363 = vector.broadcast %add3A_362 : i32 to vector<16xi32>
          %add3A_364 = arith.addi %add3A_363, %iota3A : vector<16xi32>
          tpu.vector_store_idx %arg9[%add3A_364, %broadcast_in_dim3A_358], %get3A_361 : memref<32x136xf32, #tpu.memory_space<vmem>>[vector<16xi32>, vector<16xi32>], vector<16xf32>,
          %get3A_365 = arith.index_cast %add3A_357 : i32 to index
          %get3A_366 = arith.constant 16 : index
          %get3A_367 = tpu.vector_load %arg7[%get3A_365, %get3A_366] {strides = array<i32>} : memref<128x32xf32, #tpu.memory_space<vmem>>, vector<16xf32>,
          %add3A_368 = arith.constant 16 : i32
          %add3A_369 = vector.broadcast %add3A_368 : i32 to vector<16xi32>
          %add3A_370 = arith.addi %add3A_369, %iota3A : vector<16xi32>
          tpu.vector_store_idx %arg9[%add3A_370, %broadcast_in_dim3A_358], %get3A_367 : memref<32x136xf32, #tpu.memory_space<vmem>>[vector<16xi32>, vector<16xi32>], vector<16xf32>,
          %scan3A_371 = arith.constant 12 : i32
          %scan3A_372 = arith.addi %scan3A_146, %scan3A_371 : i32
          %mul3A_373 = arith.constant 1 : i32
          %mul3A_374 = arith.muli %scan3A_372, %mul3A_373 : i32
          %add3A_375 = arith.constant 0 : i32
          %add3A_376 = arith.addi %add3A_375, %mul3A_374 : i32
          %broadcast_in_dim3A_377 = vector.broadcast %add3A_376 : i32 to vector<16xi32>
          %get3A_378 = arith.index_cast %add3A_376 : i32 to index
          %get3A_379 = arith.constant 0 : index
          %get3A_380 = tpu.vector_load %arg7[%get3A_378, %get3A_379] {strides = array<i32>} : memref<128x32xf32, #tpu.memory_space<vmem>>, vector<16xf32>,
          %add3A_381 = arith.constant 0 : i32
          %add3A_382 = vector.broadcast %add3A_381 : i32 to vector<16xi32>
          %add3A_383 = arith.addi %add3A_382, %iota3A : vector<16xi32>
          tpu.vector_store_idx %arg9[%add3A_383, %broadcast_in_dim3A_377], %get3A_380 : memref<32x136xf32, #tpu.memory_space<vmem>>[vector<16xi32>, vector<16xi32>], vector<16xf32>,
          %get3A_384 = arith.index_cast %add3A_376 : i32 to index
          %get3A_385 = arith.constant 16 : index
          %get3A_386 = tpu.vector_load %arg7[%get3A_384, %get3A_385] {strides = array<i32>} : memref<128x32xf32, #tpu.memory_space<vmem>>, vector<16xf32>,
          %add3A_387 = arith.constant 16 : i32
          %add3A_388 = vector.broadcast %add3A_387 : i32 to vector<16xi32>
          %add3A_389 = arith.addi %add3A_388, %iota3A : vector<16xi32>
          tpu.vector_store_idx %arg9[%add3A_389, %broadcast_in_dim3A_377], %get3A_386 : memref<32x136xf32, #tpu.memory_space<vmem>>[vector<16xi32>, vector<16xi32>], vector<16xf32>,
          %scan3A_390 = arith.constant 13 : i32
          %scan3A_391 = arith.addi %scan3A_146, %scan3A_390 : i32
          %mul3A_392 = arith.constant 1 : i32
          %mul3A_393 = arith.muli %scan3A_391, %mul3A_392 : i32
          %add3A_394 = arith.constant 0 : i32
          %add3A_395 = arith.addi %add3A_394, %mul3A_393 : i32
          %broadcast_in_dim3A_396 = vector.broadcast %add3A_395 : i32 to vector<16xi32>
          %get3A_397 = arith.index_cast %add3A_395 : i32 to index
          %get3A_398 = arith.constant 0 : index
          %get3A_399 = tpu.vector_load %arg7[%get3A_397, %get3A_398] {strides = array<i32>} : memref<128x32xf32, #tpu.memory_space<vmem>>, vector<16xf32>,
          %add3A_400 = arith.constant 0 : i32
          %add3A_401 = vector.broadcast %add3A_400 : i32 to vector<16xi32>
          %add3A_402 = arith.addi %add3A_401, %iota3A : vector<16xi32>
          tpu.vector_store_idx %arg9[%add3A_402, %broadcast_in_dim3A_396], %get3A_399 : memref<32x136xf32, #tpu.memory_space<vmem>>[vector<16xi32>, vector<16xi32>], vector<16xf32>,
          %get3A_403 = arith.index_cast %add3A_395 : i32 to index
          %get3A_404 = arith.constant 16 : index
          %get3A_405 = tpu.vector_load %arg7[%get3A_403, %get3A_404] {strides = array<i32>} : memref<128x32xf32, #tpu.memory_space<vmem>>, vector<16xf32>,
          %add3A_406 = arith.constant 16 : i32
          %add3A_407 = vector.broadcast %add3A_406 : i32 to vector<16xi32>
          %add3A_408 = arith.addi %add3A_407, %iota3A : vector<16xi32>
          tpu.vector_store_idx %arg9[%add3A_408, %broadcast_in_dim3A_396], %get3A_405 : memref<32x136xf32, #tpu.memory_space<vmem>>[vector<16xi32>, vector<16xi32>], vector<16xf32>,
          %scan3A_409 = arith.constant 14 : i32
          %scan3A_410 = arith.addi %scan3A_146, %scan3A_409 : i32
          %mul3A_411 = arith.constant 1 : i32
          %mul3A_412 = arith.muli %scan3A_410, %mul3A_411 : i32
          %add3A_413 = arith.constant 0 : i32
          %add3A_414 = arith.addi %add3A_413, %mul3A_412 : i32
          %broadcast_in_dim3A_415 = vector.broadcast %add3A_414 : i32 to vector<16xi32>
          %get3A_416 = arith.index_cast %add3A_414 : i32 to index
          %get3A_417 = arith.constant 0 : index
          %get3A_418 = tpu.vector_load %arg7[%get3A_416, %get3A_417] {strides = array<i32>} : memref<128x32xf32, #tpu.memory_space<vmem>>, vector<16xf32>,
          %add3A_419 = arith.constant 0 : i32
          %add3A_420 = vector.broadcast %add3A_419 : i32 to vector<16xi32>
          %add3A_421 = arith.addi %add3A_420, %iota3A : vector<16xi32>
          tpu.vector_store_idx %arg9[%add3A_421, %broadcast_in_dim3A_415], %get3A_418 : memref<32x136xf32, #tpu.memory_space<vmem>>[vector<16xi32>, vector<16xi32>], vector<16xf32>,
          %get3A_422 = arith.index_cast %add3A_414 : i32 to index
          %get3A_423 = arith.constant 16 : index
          %get3A_424 = tpu.vector_load %arg7[%get3A_422, %get3A_423] {strides = array<i32>} : memref<128x32xf32, #tpu.memory_space<vmem>>, vector<16xf32>,
          %add3A_425 = arith.constant 16 : i32
          %add3A_426 = vector.broadcast %add3A_425 : i32 to vector<16xi32>
          %add3A_427 = arith.addi %add3A_426, %iota3A : vector<16xi32>
          tpu.vector_store_idx %arg9[%add3A_427, %broadcast_in_dim3A_415], %get3A_424 : memref<32x136xf32, #tpu.memory_space<vmem>>[vector<16xi32>, vector<16xi32>], vector<16xf32>,
          %scan3A_428 = arith.constant 15 : i32
          %scan3A_429 = arith.addi %scan3A_146, %scan3A_428 : i32
          %mul3A_430 = arith.constant 1 : i32
          %mul3A_431 = arith.muli %scan3A_429, %mul3A_430 : i32
          %add3A_432 = arith.constant 0 : i32
          %add3A_433 = arith.addi %add3A_432, %mul3A_431 : i32
          %broadcast_in_dim3A_434 = vector.broadcast %add3A_433 : i32 to vector<16xi32>
          %get3A_435 = arith.index_cast %add3A_433 : i32 to index
          %get3A_436 = arith.constant 0 : index
          %get3A_437 = tpu.vector_load %arg7[%get3A_435, %get3A_436] {strides = array<i32>} : memref<128x32xf32, #tpu.memory_space<vmem>>, vector<16xf32>,
          %add3A_438 = arith.constant 0 : i32
          %add3A_439 = vector.broadcast %add3A_438 : i32 to vector<16xi32>
          %add3A_440 = arith.addi %add3A_439, %iota3A : vector<16xi32>
          tpu.vector_store_idx %arg9[%add3A_440, %broadcast_in_dim3A_434], %get3A_437 : memref<32x136xf32, #tpu.memory_space<vmem>>[vector<16xi32>, vector<16xi32>], vector<16xf32>,
          %get3A_441 = arith.index_cast %add3A_433 : i32 to index
          %get3A_442 = arith.constant 16 : index
          %get3A_443 = tpu.vector_load %arg7[%get3A_441, %get3A_442] {strides = array<i32>} : memref<128x32xf32, #tpu.memory_space<vmem>>, vector<16xf32>,
          %add3A_444 = arith.constant 16 : i32
          %add3A_445 = vector.broadcast %add3A_444 : i32 to vector<16xi32>
          %add3A_446 = arith.addi %add3A_445, %iota3A : vector<16xi32>
          tpu.vector_store_idx %arg9[%add3A_446, %broadcast_in_dim3A_434], %get3A_443 : memref<32x136xf32, #tpu.memory_space<vmem>>[vector<16xi32>, vector<16xi32>], vector<16xf32>,
        }
        %scan3A_96 = arith.constant 128 : i32
        %dma_start3A_97 = arith.constant 0 : i32
        %dma_start3A_98 = arith.constant 0 : i32
        %dma_start3A_99 = tpu.memref_slice %arg9[%dma_start3A_97, %dma_start3A_98] : memref<32x136xf32, #tpu.memory_space<vmem>> -> memref<32x128xf32, #tpu.memory_space<vmem>>
        %dma_start3A_100 = arith.constant 0 : i32
        %dma_start3A_101 = tpu.memref_slice %arg4[%add3A_74, %dma_start3A_100, %add3A_14] : memref<50x32x16384xf32, #tpu.memory_space<hbm>> -> memref<1x32x128xf32, #tpu.memory_space<hbm>>
        %dma_start3A_102 = tpu.memref_squeeze %dma_start3A_101 : memref<1x32x128xf32, #tpu.memory_space<hbm>> -> memref<32x128xf32, #tpu.memory_space<hbm>>
        %dma_start3A_103 = arith.constant 0 : i32
        %dma_start3A_104 = tpu.memref_slice %arg4[%add3A_74, %dma_start3A_103, %add3A_14] : memref<50x32x16384xf32, #tpu.memory_space<hbm>> -> memref<1x32x128xf32, #tpu.memory_space<hbm>>
        %dma_start3A_105 = tpu.memref_squeeze %dma_start3A_104 : memref<1x32x128xf32, #tpu.memory_space<hbm>> -> memref<32x128xf32, #tpu.memory_space<hbm>>
        %dma_start3A_106 = arith.constant 0 : i32
        %dma_start3A_107 = arith.constant 0 : i32
        %dma_start3A_108 = tpu.memref_slice %arg9[%dma_start3A_106, %dma_start3A_107] : memref<32x136xf32, #tpu.memory_space<vmem>> -> memref<32x128xf32, #tpu.memory_space<vmem>>
        tpu.enqueue_dma source(%dma_start3A_108 : memref<32x128xf32, #tpu.memory_space<vmem>>) target(%dma_start3A_105 : memref<32x128xf32, #tpu.memory_space<hbm>>) target_semaphore(%arg14 : memref<!tpu.dma_semaphore, #tpu.memory_space<semaphore_mem>>)
        %add3A_109 = arith.constant 2 : i32
        %add3A_110 = arith.addi %add3A_74, %add3A_109 : i32
        %lt3A = arith.constant 50 : i32
        %lt3A_111 = arith.cmpi slt, %add3A_110, %lt3A : i32
        %convert_element_type3A_112 = arith.extui %lt3A_111 : i1 to i32
        %cond3A_113 = arith.constant 0 : i32
        %cond3A_114 = arith.cmpi ne, %convert_element_type3A_112, %cond3A_113 : i32
        scf.if %cond3A_114 {
          %add3A_146 = arith.constant 2 : i32
          %add3A_147 = arith.addi %add3A_74, %add3A_146 : i32
          %dma_start3A_148 = arith.constant 0 : i32
          %dma_start3A_149 = tpu.memref_slice %arg6[%add3A_147, %dma_start3A_148] : memref<50x136xi32, #tpu.memory_space<vmem>> -> memref<1x128xi32, #tpu.memory_space<vmem>>
          %dma_start3A_150 = tpu.memref_squeeze %dma_start3A_149 : memref<1x128xi32, #tpu.memory_space<vmem>> -> memref<128xi32, #tpu.memory_space<vmem>>
          %dma_start3A_151 = arith.constant 0 : i32
          %dma_start3A_152 = arith.constant 0 : i32
          %dma_start3A_153 = tpu.memref_slice %arg3[%dma_start3A_151, %dma_start3A_152] : memref<1000000x32xf32, #tpu.memory_space<hbm>> -> memref<1000000x32xf32, #tpu.memory_space<hbm>>
          tpu.enqueue_indirect_dma source(%dma_start3A_153 : memref<1000000x32xf32, #tpu.memory_space<hbm>>) target(%arg7 : memref<128x32xf32, #tpu.memory_space<vmem>>) offsets(%dma_start3A_150 : memref<128xi32, #tpu.memory_space<vmem>>) semaphore(%arg12 : memref<!tpu.dma_semaphore, #tpu.memory_space<semaphore_mem>>)
        } else {
        }
        %dma_wait3A_115 = arith.constant 0 : i32
        %dma_wait3A_116 = arith.constant 0 : i32
        %dma_wait3A_117 = tpu.memref_slice %arg6[%dma_wait3A_115, %dma_wait3A_116] : memref<50x136xi32, #tpu.memory_space<vmem>> -> memref<1x128xi32, #tpu.memory_space<vmem>>
        %dma_wait3A_118 = tpu.memref_squeeze %dma_wait3A_117 : memref<1x128xi32, #tpu.memory_space<vmem>> -> memref<128xi32, #tpu.memory_space<vmem>>
        %dma_wait3A_119 = arith.constant 0 : i32
        %dma_wait3A_120 = arith.constant 0 : i32
        %dma_wait3A_121 = tpu.memref_slice %arg3[%dma_wait3A_119, %dma_wait3A_120] : memref<1000000x32xf32, #tpu.memory_space<hbm>> -> memref<1000000x32xf32, #tpu.memory_space<hbm>>
        tpu.wait_indirect_dma semaphore(%arg13 : memref<!tpu.dma_semaphore, #tpu.memory_space<semaphore_mem>>) src(%dma_wait3A_121 : memref<1000000x32xf32, #tpu.memory_space<hbm>>) dst(%arg8 : memref<128x32xf32, #tpu.memory_space<vmem>>)
        %gt3A_122 = arith.constant 0 : i32
        %gt3A_123 = arith.cmpi sgt, %add3A_74, %gt3A_122 : i32
        %convert_element_type3A_124 = arith.extui %gt3A_123 : i1 to i32
        %cond3A_125 = arith.constant 0 : i32
        %cond3A_126 = arith.cmpi ne, %convert_element_type3A_124, %cond3A_125 : i32
        scf.if %cond3A_126 {
          %dma_wait3A_146 = arith.constant 0 : i32
          %dma_wait3A_147 = arith.constant 0 : i32
          %dma_wait3A_148 = arith.constant 0 : i32
          %dma_wait3A_149 = tpu.memref_slice %arg10[%dma_wait3A_147, %dma_wait3A_148] : memref<32x136xf32, #tpu.memory_space<vmem>> -> memref<32x128xf32, #tpu.memory_space<vmem>>
          %dma_wait3A_150 = arith.constant 0 : i32
          %dma_wait3A_151 = arith.constant 0 : i32
          %dma_wait3A_152 = tpu.memref_slice %arg4[%dma_wait3A_146, %dma_wait3A_150, %dma_wait3A_151] : memref<50x32x16384xf32, #tpu.memory_space<hbm>> -> memref<1x32x128xf32, #tpu.memory_space<hbm>>
          %dma_wait3A_153 = tpu.memref_squeeze %dma_wait3A_152 : memref<1x32x128xf32, #tpu.memory_space<hbm>> -> memref<32x128xf32, #tpu.memory_space<hbm>>
          %dma_wait3A_154 = arith.constant 0 : i32
          %dma_wait3A_155 = arith.constant 0 : i32
          %dma_wait3A_156 = tpu.memref_slice %arg4[%dma_wait3A_146, %dma_wait3A_154, %dma_wait3A_155] : memref<50x32x16384xf32, #tpu.memory_space<hbm>> -> memref<1x32x128xf32, #tpu.memory_space<hbm>>
          %dma_wait3A_157 = tpu.memref_squeeze %dma_wait3A_156 : memref<1x32x128xf32, #tpu.memory_space<hbm>> -> memref<32x128xf32, #tpu.memory_space<hbm>>
          %dma_wait3A_158 = arith.constant 0 : i32
          %dma_wait3A_159 = arith.constant 0 : i32
          %dma_wait3A_160 = tpu.memref_slice %arg10[%dma_wait3A_158, %dma_wait3A_159] : memref<32x136xf32, #tpu.memory_space<vmem>> -> memref<32x128xf32, #tpu.memory_space<vmem>>
          tpu.wait_dma2 semaphore(%arg15 : memref<!tpu.dma_semaphore, #tpu.memory_space<semaphore_mem>>) src(%dma_wait3A_160 : memref<32x128xf32, #tpu.memory_space<vmem>>) dst(%dma_wait3A_157 : memref<32x128xf32, #tpu.memory_space<hbm>>)
        } else {
        }
        %scan3A_127 = arith.constant 0 : i32
        %scan3A_128 = arith.constant 128 : i32
        %scan3A_129 = arith.addi %scan3A_127, %scan3A_128 : i32
        %scan3A_130 = arith.constant 16 : i32
        scf.for %scan3A_146 = %scan3A_127 to %scan3A_129 step %scan3A_130  : i32 {
          %mul3A_147 = arith.constant 1 : i32
          %mul3A_148 = arith.muli %scan3A_146, %mul3A_147 : i32
          %add3A_149 = arith.constant 0 : i32
          %add3A_150 = arith.addi %add3A_149, %mul3A_148 : i32
          %broadcast_in_dim3A = vector.broadcast %add3A_150 : i32 to vector<16xi32>
          %get3A = arith.index_cast %add3A_150 : i32 to index
          %get3A_151 = arith.constant 0 : index
          %get3A_152 = tpu.vector_load %arg8[%get3A, %get3A_151] {strides = array<i32>} : memref<128x32xf32, #tpu.memory_space<vmem>>, vector<16xf32>,
          %add3A_153 = arith.constant 0 : i32
          %add3A_154 = vector.broadcast %add3A_153 : i32 to vector<16xi32>
          %add3A_155 = arith.addi %add3A_154, %iota3A : vector<16xi32>
          tpu.vector_store_idx %arg10[%add3A_155, %broadcast_in_dim3A], %get3A_152 : memref<32x136xf32, #tpu.memory_space<vmem>>[vector<16xi32>, vector<16xi32>], vector<16xf32>,
          %get3A_156 = arith.index_cast %add3A_150 : i32 to index
          %get3A_157 = arith.constant 16 : index
          %get3A_158 = tpu.vector_load %arg8[%get3A_156, %get3A_157] {strides = array<i32>} : memref<128x32xf32, #tpu.memory_space<vmem>>, vector<16xf32>,
          %add3A_159 = arith.constant 16 : i32
          %add3A_160 = vector.broadcast %add3A_159 : i32 to vector<16xi32>
          %add3A_161 = arith.addi %add3A_160, %iota3A : vector<16xi32>
          tpu.vector_store_idx %arg10[%add3A_161, %broadcast_in_dim3A], %get3A_158 : memref<32x136xf32, #tpu.memory_space<vmem>>[vector<16xi32>, vector<16xi32>], vector<16xf32>,
          %scan3A_162 = arith.constant 1 : i32
          %scan3A_163 = arith.addi %scan3A_146, %scan3A_162 : i32
          %mul3A_164 = arith.constant 1 : i32
          %mul3A_165 = arith.muli %scan3A_163, %mul3A_164 : i32
          %add3A_166 = arith.constant 0 : i32
          %add3A_167 = arith.addi %add3A_166, %mul3A_165 : i32
          %broadcast_in_dim3A_168 = vector.broadcast %add3A_167 : i32 to vector<16xi32>
          %get3A_169 = arith.index_cast %add3A_167 : i32 to index
          %get3A_170 = arith.constant 0 : index
          %get3A_171 = tpu.vector_load %arg8[%get3A_169, %get3A_170] {strides = array<i32>} : memref<128x32xf32, #tpu.memory_space<vmem>>, vector<16xf32>,
          %add3A_172 = arith.constant 0 : i32
          %add3A_173 = vector.broadcast %add3A_172 : i32 to vector<16xi32>
          %add3A_174 = arith.addi %add3A_173, %iota3A : vector<16xi32>
          tpu.vector_store_idx %arg10[%add3A_174, %broadcast_in_dim3A_168], %get3A_171 : memref<32x136xf32, #tpu.memory_space<vmem>>[vector<16xi32>, vector<16xi32>], vector<16xf32>,
          %get3A_175 = arith.index_cast %add3A_167 : i32 to index
          %get3A_176 = arith.constant 16 : index
          %get3A_177 = tpu.vector_load %arg8[%get3A_175, %get3A_176] {strides = array<i32>} : memref<128x32xf32, #tpu.memory_space<vmem>>, vector<16xf32>,
          %add3A_178 = arith.constant 16 : i32
          %add3A_179 = vector.broadcast %add3A_178 : i32 to vector<16xi32>
          %add3A_180 = arith.addi %add3A_179, %iota3A : vector<16xi32>
          tpu.vector_store_idx %arg10[%add3A_180, %broadcast_in_dim3A_168], %get3A_177 : memref<32x136xf32, #tpu.memory_space<vmem>>[vector<16xi32>, vector<16xi32>], vector<16xf32>,
          %scan3A_181 = arith.constant 2 : i32
          %scan3A_182 = arith.addi %scan3A_146, %scan3A_181 : i32
          %mul3A_183 = arith.constant 1 : i32
          %mul3A_184 = arith.muli %scan3A_182, %mul3A_183 : i32
          %add3A_185 = arith.constant 0 : i32
          %add3A_186 = arith.addi %add3A_185, %mul3A_184 : i32
          %broadcast_in_dim3A_187 = vector.broadcast %add3A_186 : i32 to vector<16xi32>
          %get3A_188 = arith.index_cast %add3A_186 : i32 to index
          %get3A_189 = arith.constant 0 : index
          %get3A_190 = tpu.vector_load %arg8[%get3A_188, %get3A_189] {strides = array<i32>} : memref<128x32xf32, #tpu.memory_space<vmem>>, vector<16xf32>,
          %add3A_191 = arith.constant 0 : i32
          %add3A_192 = vector.broadcast %add3A_191 : i32 to vector<16xi32>
          %add3A_193 = arith.addi %add3A_192, %iota3A : vector<16xi32>
          tpu.vector_store_idx %arg10[%add3A_193, %broadcast_in_dim3A_187], %get3A_190 : memref<32x136xf32, #tpu.memory_space<vmem>>[vector<16xi32>, vector<16xi32>], vector<16xf32>,
          %get3A_194 = arith.index_cast %add3A_186 : i32 to index
          %get3A_195 = arith.constant 16 : index
          %get3A_196 = tpu.vector_load %arg8[%get3A_194, %get3A_195] {strides = array<i32>} : memref<128x32xf32, #tpu.memory_space<vmem>>, vector<16xf32>,
          %add3A_197 = arith.constant 16 : i32
          %add3A_198 = vector.broadcast %add3A_197 : i32 to vector<16xi32>
          %add3A_199 = arith.addi %add3A_198, %iota3A : vector<16xi32>
          tpu.vector_store_idx %arg10[%add3A_199, %broadcast_in_dim3A_187], %get3A_196 : memref<32x136xf32, #tpu.memory_space<vmem>>[vector<16xi32>, vector<16xi32>], vector<16xf32>,
          %scan3A_200 = arith.constant 3 : i32
          %scan3A_201 = arith.addi %scan3A_146, %scan3A_200 : i32
          %mul3A_202 = arith.constant 1 : i32
          %mul3A_203 = arith.muli %scan3A_201, %mul3A_202 : i32
          %add3A_204 = arith.constant 0 : i32
          %add3A_205 = arith.addi %add3A_204, %mul3A_203 : i32
          %broadcast_in_dim3A_206 = vector.broadcast %add3A_205 : i32 to vector<16xi32>
          %get3A_207 = arith.index_cast %add3A_205 : i32 to index
          %get3A_208 = arith.constant 0 : index
          %get3A_209 = tpu.vector_load %arg8[%get3A_207, %get3A_208] {strides = array<i32>} : memref<128x32xf32, #tpu.memory_space<vmem>>, vector<16xf32>,
          %add3A_210 = arith.constant 0 : i32
          %add3A_211 = vector.broadcast %add3A_210 : i32 to vector<16xi32>
          %add3A_212 = arith.addi %add3A_211, %iota3A : vector<16xi32>
          tpu.vector_store_idx %arg10[%add3A_212, %broadcast_in_dim3A_206], %get3A_209 : memref<32x136xf32, #tpu.memory_space<vmem>>[vector<16xi32>, vector<16xi32>], vector<16xf32>,
          %get3A_213 = arith.index_cast %add3A_205 : i32 to index
          %get3A_214 = arith.constant 16 : index
          %get3A_215 = tpu.vector_load %arg8[%get3A_213, %get3A_214] {strides = array<i32>} : memref<128x32xf32, #tpu.memory_space<vmem>>, vector<16xf32>,
          %add3A_216 = arith.constant 16 : i32
          %add3A_217 = vector.broadcast %add3A_216 : i32 to vector<16xi32>
          %add3A_218 = arith.addi %add3A_217, %iota3A : vector<16xi32>
          tpu.vector_store_idx %arg10[%add3A_218, %broadcast_in_dim3A_206], %get3A_215 : memref<32x136xf32, #tpu.memory_space<vmem>>[vector<16xi32>, vector<16xi32>], vector<16xf32>,
          %scan3A_219 = arith.constant 4 : i32
          %scan3A_220 = arith.addi %scan3A_146, %scan3A_219 : i32
          %mul3A_221 = arith.constant 1 : i32
          %mul3A_222 = arith.muli %scan3A_220, %mul3A_221 : i32
          %add3A_223 = arith.constant 0 : i32
          %add3A_224 = arith.addi %add3A_223, %mul3A_222 : i32
          %broadcast_in_dim3A_225 = vector.broadcast %add3A_224 : i32 to vector<16xi32>
          %get3A_226 = arith.index_cast %add3A_224 : i32 to index
          %get3A_227 = arith.constant 0 : index
          %get3A_228 = tpu.vector_load %arg8[%get3A_226, %get3A_227] {strides = array<i32>} : memref<128x32xf32, #tpu.memory_space<vmem>>, vector<16xf32>,
          %add3A_229 = arith.constant 0 : i32
          %add3A_230 = vector.broadcast %add3A_229 : i32 to vector<16xi32>
          %add3A_231 = arith.addi %add3A_230, %iota3A : vector<16xi32>
          tpu.vector_store_idx %arg10[%add3A_231, %broadcast_in_dim3A_225], %get3A_228 : memref<32x136xf32, #tpu.memory_space<vmem>>[vector<16xi32>, vector<16xi32>], vector<16xf32>,
          %get3A_232 = arith.index_cast %add3A_224 : i32 to index
          %get3A_233 = arith.constant 16 : index
          %get3A_234 = tpu.vector_load %arg8[%get3A_232, %get3A_233] {strides = array<i32>} : memref<128x32xf32, #tpu.memory_space<vmem>>, vector<16xf32>,
          %add3A_235 = arith.constant 16 : i32
          %add3A_236 = vector.broadcast %add3A_235 : i32 to vector<16xi32>
          %add3A_237 = arith.addi %add3A_236, %iota3A : vector<16xi32>
          tpu.vector_store_idx %arg10[%add3A_237, %broadcast_in_dim3A_225], %get3A_234 : memref<32x136xf32, #tpu.memory_space<vmem>>[vector<16xi32>, vector<16xi32>], vector<16xf32>,
          %scan3A_238 = arith.constant 5 : i32
          %scan3A_239 = arith.addi %scan3A_146, %scan3A_238 : i32
          %mul3A_240 = arith.constant 1 : i32
          %mul3A_241 = arith.muli %scan3A_239, %mul3A_240 : i32
          %add3A_242 = arith.constant 0 : i32
          %add3A_243 = arith.addi %add3A_242, %mul3A_241 : i32
          %broadcast_in_dim3A_244 = vector.broadcast %add3A_243 : i32 to vector<16xi32>
          %get3A_245 = arith.index_cast %add3A_243 : i32 to index
          %get3A_246 = arith.constant 0 : index
          %get3A_247 = tpu.vector_load %arg8[%get3A_245, %get3A_246] {strides = array<i32>} : memref<128x32xf32, #tpu.memory_space<vmem>>, vector<16xf32>,
          %add3A_248 = arith.constant 0 : i32
          %add3A_249 = vector.broadcast %add3A_248 : i32 to vector<16xi32>
          %add3A_250 = arith.addi %add3A_249, %iota3A : vector<16xi32>
          tpu.vector_store_idx %arg10[%add3A_250, %broadcast_in_dim3A_244], %get3A_247 : memref<32x136xf32, #tpu.memory_space<vmem>>[vector<16xi32>, vector<16xi32>], vector<16xf32>,
          %get3A_251 = arith.index_cast %add3A_243 : i32 to index
          %get3A_252 = arith.constant 16 : index
          %get3A_253 = tpu.vector_load %arg8[%get3A_251, %get3A_252] {strides = array<i32>} : memref<128x32xf32, #tpu.memory_space<vmem>>, vector<16xf32>,
          %add3A_254 = arith.constant 16 : i32
          %add3A_255 = vector.broadcast %add3A_254 : i32 to vector<16xi32>
          %add3A_256 = arith.addi %add3A_255, %iota3A : vector<16xi32>
          tpu.vector_store_idx %arg10[%add3A_256, %broadcast_in_dim3A_244], %get3A_253 : memref<32x136xf32, #tpu.memory_space<vmem>>[vector<16xi32>, vector<16xi32>], vector<16xf32>,
          %scan3A_257 = arith.constant 6 : i32
          %scan3A_258 = arith.addi %scan3A_146, %scan3A_257 : i32
          %mul3A_259 = arith.constant 1 : i32
          %mul3A_260 = arith.muli %scan3A_258, %mul3A_259 : i32
          %add3A_261 = arith.constant 0 : i32
          %add3A_262 = arith.addi %add3A_261, %mul3A_260 : i32
          %broadcast_in_dim3A_263 = vector.broadcast %add3A_262 : i32 to vector<16xi32>
          %get3A_264 = arith.index_cast %add3A_262 : i32 to index
          %get3A_265 = arith.constant 0 : index
          %get3A_266 = tpu.vector_load %arg8[%get3A_264, %get3A_265] {strides = array<i32>} : memref<128x32xf32, #tpu.memory_space<vmem>>, vector<16xf32>,
          %add3A_267 = arith.constant 0 : i32
          %add3A_268 = vector.broadcast %add3A_267 : i32 to vector<16xi32>
          %add3A_269 = arith.addi %add3A_268, %iota3A : vector<16xi32>
          tpu.vector_store_idx %arg10[%add3A_269, %broadcast_in_dim3A_263], %get3A_266 : memref<32x136xf32, #tpu.memory_space<vmem>>[vector<16xi32>, vector<16xi32>], vector<16xf32>,
          %get3A_270 = arith.index_cast %add3A_262 : i32 to index
          %get3A_271 = arith.constant 16 : index
          %get3A_272 = tpu.vector_load %arg8[%get3A_270, %get3A_271] {strides = array<i32>} : memref<128x32xf32, #tpu.memory_space<vmem>>, vector<16xf32>,
          %add3A_273 = arith.constant 16 : i32
          %add3A_274 = vector.broadcast %add3A_273 : i32 to vector<16xi32>
          %add3A_275 = arith.addi %add3A_274, %iota3A : vector<16xi32>
          tpu.vector_store_idx %arg10[%add3A_275, %broadcast_in_dim3A_263], %get3A_272 : memref<32x136xf32, #tpu.memory_space<vmem>>[vector<16xi32>, vector<16xi32>], vector<16xf32>,
          %scan3A_276 = arith.constant 7 : i32
          %scan3A_277 = arith.addi %scan3A_146, %scan3A_276 : i32
          %mul3A_278 = arith.constant 1 : i32
          %mul3A_279 = arith.muli %scan3A_277, %mul3A_278 : i32
          %add3A_280 = arith.constant 0 : i32
          %add3A_281 = arith.addi %add3A_280, %mul3A_279 : i32
          %broadcast_in_dim3A_282 = vector.broadcast %add3A_281 : i32 to vector<16xi32>
          %get3A_283 = arith.index_cast %add3A_281 : i32 to index
          %get3A_284 = arith.constant 0 : index
          %get3A_285 = tpu.vector_load %arg8[%get3A_283, %get3A_284] {strides = array<i32>} : memref<128x32xf32, #tpu.memory_space<vmem>>, vector<16xf32>,
          %add3A_286 = arith.constant 0 : i32
          %add3A_287 = vector.broadcast %add3A_286 : i32 to vector<16xi32>
          %add3A_288 = arith.addi %add3A_287, %iota3A : vector<16xi32>
          tpu.vector_store_idx %arg10[%add3A_288, %broadcast_in_dim3A_282], %get3A_285 : memref<32x136xf32, #tpu.memory_space<vmem>>[vector<16xi32>, vector<16xi32>], vector<16xf32>,
          %get3A_289 = arith.index_cast %add3A_281 : i32 to index
          %get3A_290 = arith.constant 16 : index
          %get3A_291 = tpu.vector_load %arg8[%get3A_289, %get3A_290] {strides = array<i32>} : memref<128x32xf32, #tpu.memory_space<vmem>>, vector<16xf32>,
          %add3A_292 = arith.constant 16 : i32
          %add3A_293 = vector.broadcast %add3A_292 : i32 to vector<16xi32>
          %add3A_294 = arith.addi %add3A_293, %iota3A : vector<16xi32>
          tpu.vector_store_idx %arg10[%add3A_294, %broadcast_in_dim3A_282], %get3A_291 : memref<32x136xf32, #tpu.memory_space<vmem>>[vector<16xi32>, vector<16xi32>], vector<16xf32>,
          %scan3A_295 = arith.constant 8 : i32
          %scan3A_296 = arith.addi %scan3A_146, %scan3A_295 : i32
          %mul3A_297 = arith.constant 1 : i32
          %mul3A_298 = arith.muli %scan3A_296, %mul3A_297 : i32
          %add3A_299 = arith.constant 0 : i32
          %add3A_300 = arith.addi %add3A_299, %mul3A_298 : i32
          %broadcast_in_dim3A_301 = vector.broadcast %add3A_300 : i32 to vector<16xi32>
          %get3A_302 = arith.index_cast %add3A_300 : i32 to index
          %get3A_303 = arith.constant 0 : index
          %get3A_304 = tpu.vector_load %arg8[%get3A_302, %get3A_303] {strides = array<i32>} : memref<128x32xf32, #tpu.memory_space<vmem>>, vector<16xf32>,
          %add3A_305 = arith.constant 0 : i32
          %add3A_306 = vector.broadcast %add3A_305 : i32 to vector<16xi32>
          %add3A_307 = arith.addi %add3A_306, %iota3A : vector<16xi32>
          tpu.vector_store_idx %arg10[%add3A_307, %broadcast_in_dim3A_301], %get3A_304 : memref<32x136xf32, #tpu.memory_space<vmem>>[vector<16xi32>, vector<16xi32>], vector<16xf32>,
          %get3A_308 = arith.index_cast %add3A_300 : i32 to index
          %get3A_309 = arith.constant 16 : index
          %get3A_310 = tpu.vector_load %arg8[%get3A_308, %get3A_309] {strides = array<i32>} : memref<128x32xf32, #tpu.memory_space<vmem>>, vector<16xf32>,
          %add3A_311 = arith.constant 16 : i32
          %add3A_312 = vector.broadcast %add3A_311 : i32 to vector<16xi32>
          %add3A_313 = arith.addi %add3A_312, %iota3A : vector<16xi32>
          tpu.vector_store_idx %arg10[%add3A_313, %broadcast_in_dim3A_301], %get3A_310 : memref<32x136xf32, #tpu.memory_space<vmem>>[vector<16xi32>, vector<16xi32>], vector<16xf32>,
          %scan3A_314 = arith.constant 9 : i32
          %scan3A_315 = arith.addi %scan3A_146, %scan3A_314 : i32
          %mul3A_316 = arith.constant 1 : i32
          %mul3A_317 = arith.muli %scan3A_315, %mul3A_316 : i32
          %add3A_318 = arith.constant 0 : i32
          %add3A_319 = arith.addi %add3A_318, %mul3A_317 : i32
          %broadcast_in_dim3A_320 = vector.broadcast %add3A_319 : i32 to vector<16xi32>
          %get3A_321 = arith.index_cast %add3A_319 : i32 to index
          %get3A_322 = arith.constant 0 : index
          %get3A_323 = tpu.vector_load %arg8[%get3A_321, %get3A_322] {strides = array<i32>} : memref<128x32xf32, #tpu.memory_space<vmem>>, vector<16xf32>,
          %add3A_324 = arith.constant 0 : i32
          %add3A_325 = vector.broadcast %add3A_324 : i32 to vector<16xi32>
          %add3A_326 = arith.addi %add3A_325, %iota3A : vector<16xi32>
          tpu.vector_store_idx %arg10[%add3A_326, %broadcast_in_dim3A_320], %get3A_323 : memref<32x136xf32, #tpu.memory_space<vmem>>[vector<16xi32>, vector<16xi32>], vector<16xf32>,
          %get3A_327 = arith.index_cast %add3A_319 : i32 to index
          %get3A_328 = arith.constant 16 : index
          %get3A_329 = tpu.vector_load %arg8[%get3A_327, %get3A_328] {strides = array<i32>} : memref<128x32xf32, #tpu.memory_space<vmem>>, vector<16xf32>,
          %add3A_330 = arith.constant 16 : i32
          %add3A_331 = vector.broadcast %add3A_330 : i32 to vector<16xi32>
          %add3A_332 = arith.addi %add3A_331, %iota3A : vector<16xi32>
          tpu.vector_store_idx %arg10[%add3A_332, %broadcast_in_dim3A_320], %get3A_329 : memref<32x136xf32, #tpu.memory_space<vmem>>[vector<16xi32>, vector<16xi32>], vector<16xf32>,
          %scan3A_333 = arith.constant 10 : i32
          %scan3A_334 = arith.addi %scan3A_146, %scan3A_333 : i32
          %mul3A_335 = arith.constant 1 : i32
          %mul3A_336 = arith.muli %scan3A_334, %mul3A_335 : i32
          %add3A_337 = arith.constant 0 : i32
          %add3A_338 = arith.addi %add3A_337, %mul3A_336 : i32
          %broadcast_in_dim3A_339 = vector.broadcast %add3A_338 : i32 to vector<16xi32>
          %get3A_340 = arith.index_cast %add3A_338 : i32 to index
          %get3A_341 = arith.constant 0 : index
          %get3A_342 = tpu.vector_load %arg8[%get3A_340, %get3A_341] {strides = array<i32>} : memref<128x32xf32, #tpu.memory_space<vmem>>, vector<16xf32>,
          %add3A_343 = arith.constant 0 : i32
          %add3A_344 = vector.broadcast %add3A_343 : i32 to vector<16xi32>
          %add3A_345 = arith.addi %add3A_344, %iota3A : vector<16xi32>
          tpu.vector_store_idx %arg10[%add3A_345, %broadcast_in_dim3A_339], %get3A_342 : memref<32x136xf32, #tpu.memory_space<vmem>>[vector<16xi32>, vector<16xi32>], vector<16xf32>,
          %get3A_346 = arith.index_cast %add3A_338 : i32 to index
          %get3A_347 = arith.constant 16 : index
          %get3A_348 = tpu.vector_load %arg8[%get3A_346, %get3A_347] {strides = array<i32>} : memref<128x32xf32, #tpu.memory_space<vmem>>, vector<16xf32>,
          %add3A_349 = arith.constant 16 : i32
          %add3A_350 = vector.broadcast %add3A_349 : i32 to vector<16xi32>
          %add3A_351 = arith.addi %add3A_350, %iota3A : vector<16xi32>
          tpu.vector_store_idx %arg10[%add3A_351, %broadcast_in_dim3A_339], %get3A_348 : memref<32x136xf32, #tpu.memory_space<vmem>>[vector<16xi32>, vector<16xi32>], vector<16xf32>,
          %scan3A_352 = arith.constant 11 : i32
          %scan3A_353 = arith.addi %scan3A_146, %scan3A_352 : i32
          %mul3A_354 = arith.constant 1 : i32
          %mul3A_355 = arith.muli %scan3A_353, %mul3A_354 : i32
          %add3A_356 = arith.constant 0 : i32
          %add3A_357 = arith.addi %add3A_356, %mul3A_355 : i32
          %broadcast_in_dim3A_358 = vector.broadcast %add3A_357 : i32 to vector<16xi32>
          %get3A_359 = arith.index_cast %add3A_357 : i32 to index
          %get3A_360 = arith.constant 0 : index
          %get3A_361 = tpu.vector_load %arg8[%get3A_359, %get3A_360] {strides = array<i32>} : memref<128x32xf32, #tpu.memory_space<vmem>>, vector<16xf32>,
          %add3A_362 = arith.constant 0 : i32
          %add3A_363 = vector.broadcast %add3A_362 : i32 to vector<16xi32>
          %add3A_364 = arith.addi %add3A_363, %iota3A : vector<16xi32>
          tpu.vector_store_idx %arg10[%add3A_364, %broadcast_in_dim3A_358], %get3A_361 : memref<32x136xf32, #tpu.memory_space<vmem>>[vector<16xi32>, vector<16xi32>], vector<16xf32>,
          %get3A_365 = arith.index_cast %add3A_357 : i32 to index
          %get3A_366 = arith.constant 16 : index
          %get3A_367 = tpu.vector_load %arg8[%get3A_365, %get3A_366] {strides = array<i32>} : memref<128x32xf32, #tpu.memory_space<vmem>>, vector<16xf32>,
          %add3A_368 = arith.constant 16 : i32
          %add3A_369 = vector.broadcast %add3A_368 : i32 to vector<16xi32>
          %add3A_370 = arith.addi %add3A_369, %iota3A : vector<16xi32>
          tpu.vector_store_idx %arg10[%add3A_370, %broadcast_in_dim3A_358], %get3A_367 : memref<32x136xf32, #tpu.memory_space<vmem>>[vector<16xi32>, vector<16xi32>], vector<16xf32>,
          %scan3A_371 = arith.constant 12 : i32
          %scan3A_372 = arith.addi %scan3A_146, %scan3A_371 : i32
          %mul3A_373 = arith.constant 1 : i32
          %mul3A_374 = arith.muli %scan3A_372, %mul3A_373 : i32
          %add3A_375 = arith.constant 0 : i32
          %add3A_376 = arith.addi %add3A_375, %mul3A_374 : i32
          %broadcast_in_dim3A_377 = vector.broadcast %add3A_376 : i32 to vector<16xi32>
          %get3A_378 = arith.index_cast %add3A_376 : i32 to index
          %get3A_379 = arith.constant 0 : index
          %get3A_380 = tpu.vector_load %arg8[%get3A_378, %get3A_379] {strides = array<i32>} : memref<128x32xf32, #tpu.memory_space<vmem>>, vector<16xf32>,
          %add3A_381 = arith.constant 0 : i32
          %add3A_382 = vector.broadcast %add3A_381 : i32 to vector<16xi32>
          %add3A_383 = arith.addi %add3A_382, %iota3A : vector<16xi32>
          tpu.vector_store_idx %arg10[%add3A_383, %broadcast_in_dim3A_377], %get3A_380 : memref<32x136xf32, #tpu.memory_space<vmem>>[vector<16xi32>, vector<16xi32>], vector<16xf32>,
          %get3A_384 = arith.index_cast %add3A_376 : i32 to index
          %get3A_385 = arith.constant 16 : index
          %get3A_386 = tpu.vector_load %arg8[%get3A_384, %get3A_385] {strides = array<i32>} : memref<128x32xf32, #tpu.memory_space<vmem>>, vector<16xf32>,
          %add3A_387 = arith.constant 16 : i32
          %add3A_388 = vector.broadcast %add3A_387 : i32 to vector<16xi32>
          %add3A_389 = arith.addi %add3A_388, %iota3A : vector<16xi32>
          tpu.vector_store_idx %arg10[%add3A_389, %broadcast_in_dim3A_377], %get3A_386 : memref<32x136xf32, #tpu.memory_space<vmem>>[vector<16xi32>, vector<16xi32>], vector<16xf32>,
          %scan3A_390 = arith.constant 13 : i32
          %scan3A_391 = arith.addi %scan3A_146, %scan3A_390 : i32
          %mul3A_392 = arith.constant 1 : i32
          %mul3A_393 = arith.muli %scan3A_391, %mul3A_392 : i32
          %add3A_394 = arith.constant 0 : i32
          %add3A_395 = arith.addi %add3A_394, %mul3A_393 : i32
          %broadcast_in_dim3A_396 = vector.broadcast %add3A_395 : i32 to vector<16xi32>
          %get3A_397 = arith.index_cast %add3A_395 : i32 to index
          %get3A_398 = arith.constant 0 : index
          %get3A_399 = tpu.vector_load %arg8[%get3A_397, %get3A_398] {strides = array<i32>} : memref<128x32xf32, #tpu.memory_space<vmem>>, vector<16xf32>,
          %add3A_400 = arith.constant 0 : i32
          %add3A_401 = vector.broadcast %add3A_400 : i32 to vector<16xi32>
          %add3A_402 = arith.addi %add3A_401, %iota3A : vector<16xi32>
          tpu.vector_store_idx %arg10[%add3A_402, %broadcast_in_dim3A_396], %get3A_399 : memref<32x136xf32, #tpu.memory_space<vmem>>[vector<16xi32>, vector<16xi32>], vector<16xf32>,
          %get3A_403 = arith.index_cast %add3A_395 : i32 to index
          %get3A_404 = arith.constant 16 : index
          %get3A_405 = tpu.vector_load %arg8[%get3A_403, %get3A_404] {strides = array<i32>} : memref<128x32xf32, #tpu.memory_space<vmem>>, vector<16xf32>,
          %add3A_406 = arith.constant 16 : i32
          %add3A_407 = vector.broadcast %add3A_406 : i32 to vector<16xi32>
          %add3A_408 = arith.addi %add3A_407, %iota3A : vector<16xi32>
          tpu.vector_store_idx %arg10[%add3A_408, %broadcast_in_dim3A_396], %get3A_405 : memref<32x136xf32, #tpu.memory_space<vmem>>[vector<16xi32>, vector<16xi32>], vector<16xf32>,
          %scan3A_409 = arith.constant 14 : i32
          %scan3A_410 = arith.addi %scan3A_146, %scan3A_409 : i32
          %mul3A_411 = arith.constant 1 : i32
          %mul3A_412 = arith.muli %scan3A_410, %mul3A_411 : i32
          %add3A_413 = arith.constant 0 : i32
          %add3A_414 = arith.addi %add3A_413, %mul3A_412 : i32
          %broadcast_in_dim3A_415 = vector.broadcast %add3A_414 : i32 to vector<16xi32>
          %get3A_416 = arith.index_cast %add3A_414 : i32 to index
          %get3A_417 = arith.constant 0 : index
          %get3A_418 = tpu.vector_load %arg8[%get3A_416, %get3A_417] {strides = array<i32>} : memref<128x32xf32, #tpu.memory_space<vmem>>, vector<16xf32>,
          %add3A_419 = arith.constant 0 : i32
          %add3A_420 = vector.broadcast %add3A_419 : i32 to vector<16xi32>
          %add3A_421 = arith.addi %add3A_420, %iota3A : vector<16xi32>
          tpu.vector_store_idx %arg10[%add3A_421, %broadcast_in_dim3A_415], %get3A_418 : memref<32x136xf32, #tpu.memory_space<vmem>>[vector<16xi32>, vector<16xi32>], vector<16xf32>,
          %get3A_422 = arith.index_cast %add3A_414 : i32 to index
          %get3A_423 = arith.constant 16 : index
          %get3A_424 = tpu.vector_load %arg8[%get3A_422, %get3A_423] {strides = array<i32>} : memref<128x32xf32, #tpu.memory_space<vmem>>, vector<16xf32>,
          %add3A_425 = arith.constant 16 : i32
          %add3A_426 = vector.broadcast %add3A_425 : i32 to vector<16xi32>
          %add3A_427 = arith.addi %add3A_426, %iota3A : vector<16xi32>
          tpu.vector_store_idx %arg10[%add3A_427, %broadcast_in_dim3A_415], %get3A_424 : memref<32x136xf32, #tpu.memory_space<vmem>>[vector<16xi32>, vector<16xi32>], vector<16xf32>,
          %scan3A_428 = arith.constant 15 : i32
          %scan3A_429 = arith.addi %scan3A_146, %scan3A_428 : i32
          %mul3A_430 = arith.constant 1 : i32
          %mul3A_431 = arith.muli %scan3A_429, %mul3A_430 : i32
          %add3A_432 = arith.constant 0 : i32
          %add3A_433 = arith.addi %add3A_432, %mul3A_431 : i32
          %broadcast_in_dim3A_434 = vector.broadcast %add3A_433 : i32 to vector<16xi32>
          %get3A_435 = arith.index_cast %add3A_433 : i32 to index
          %get3A_436 = arith.constant 0 : index
          %get3A_437 = tpu.vector_load %arg8[%get3A_435, %get3A_436] {strides = array<i32>} : memref<128x32xf32, #tpu.memory_space<vmem>>, vector<16xf32>,
          %add3A_438 = arith.constant 0 : i32
          %add3A_439 = vector.broadcast %add3A_438 : i32 to vector<16xi32>
          %add3A_440 = arith.addi %add3A_439, %iota3A : vector<16xi32>
          tpu.vector_store_idx %arg10[%add3A_440, %broadcast_in_dim3A_434], %get3A_437 : memref<32x136xf32, #tpu.memory_space<vmem>>[vector<16xi32>, vector<16xi32>], vector<16xf32>,
          %get3A_441 = arith.index_cast %add3A_433 : i32 to index
          %get3A_442 = arith.constant 16 : index
          %get3A_443 = tpu.vector_load %arg8[%get3A_441, %get3A_442] {strides = array<i32>} : memref<128x32xf32, #tpu.memory_space<vmem>>, vector<16xf32>,
          %add3A_444 = arith.constant 16 : i32
          %add3A_445 = vector.broadcast %add3A_444 : i32 to vector<16xi32>
          %add3A_446 = arith.addi %add3A_445, %iota3A : vector<16xi32>
          tpu.vector_store_idx %arg10[%add3A_446, %broadcast_in_dim3A_434], %get3A_443 : memref<32x136xf32, #tpu.memory_space<vmem>>[vector<16xi32>, vector<16xi32>], vector<16xf32>,
        }
        %scan3A_131 = arith.constant 128 : i32
        %add3A_132 = arith.constant 1 : i32
        %add3A_133 = arith.addi %add3A_74, %add3A_132 : i32
        %dma_start3A_134 = arith.constant 0 : i32
        %dma_start3A_135 = arith.constant 0 : i32
        %dma_start3A_136 = tpu.memref_slice %arg10[%dma_start3A_134, %dma_start3A_135] : memref<32x136xf32, #tpu.memory_space<vmem>> -> memref<32x128xf32, #tpu.memory_space<vmem>>
        %dma_start3A_137 = arith.constant 0 : i32
        %dma_start3A_138 = tpu.memref_slice %arg4[%add3A_133, %dma_start3A_137, %add3A_14] : memref<50x32x16384xf32, #tpu.memory_space<hbm>> -> memref<1x32x128xf32, #tpu.memory_space<hbm>>
        %dma_start3A_139 = tpu.memref_squeeze %dma_start3A_138 : memref<1x32x128xf32, #tpu.memory_space<hbm>> -> memref<32x128xf32, #tpu.memory_space<hbm>>
        %dma_start3A_140 = arith.constant 0 : i32
        %dma_start3A_141 = tpu.memref_slice %arg4[%add3A_133, %dma_start3A_140, %add3A_14] : memref<50x32x16384xf32, #tpu.memory_space<hbm>> -> memref<1x32x128xf32, #tpu.memory_space<hbm>>
        %dma_start3A_142 = tpu.memref_squeeze %dma_start3A_141 : memref<1x32x128xf32, #tpu.memory_space<hbm>> -> memref<32x128xf32, #tpu.memory_space<hbm>>
        %dma_start3A_143 = arith.constant 0 : i32
        %dma_start3A_144 = arith.constant 0 : i32
        %dma_start3A_145 = tpu.memref_slice %arg10[%dma_start3A_143, %dma_start3A_144] : memref<32x136xf32, #tpu.memory_space<vmem>> -> memref<32x128xf32, #tpu.memory_space<vmem>>
        tpu.enqueue_dma source(%dma_start3A_145 : memref<32x128xf32, #tpu.memory_space<vmem>>) target(%dma_start3A_142 : memref<32x128xf32, #tpu.memory_space<hbm>>) target_semaphore(%arg15 : memref<!tpu.dma_semaphore, #tpu.memory_space<semaphore_mem>>)
      }
      %scan3A_39 = arith.constant 25 : i32
      %dma_wait3A_40 = arith.constant 0 : i32
      %dma_wait3A_41 = arith.constant 0 : i32
      %dma_wait3A_42 = arith.constant 0 : i32
      %dma_wait3A_43 = tpu.memref_slice %arg9[%dma_wait3A_41, %dma_wait3A_42] : memref<32x136xf32, #tpu.memory_space<vmem>> -> memref<32x128xf32, #tpu.memory_space<vmem>>
      %dma_wait3A_44 = arith.constant 0 : i32
      %dma_wait3A_45 = arith.constant 0 : i32
      %dma_wait3A_46 = tpu.memref_slice %arg4[%dma_wait3A_40, %dma_wait3A_44, %dma_wait3A_45] : memref<50x32x16384xf32, #tpu.memory_space<hbm>> -> memref<1x32x128xf32, #tpu.memory_space<hbm>>
      %dma_wait3A_47 = tpu.memref_squeeze %dma_wait3A_46 : memref<1x32x128xf32, #tpu.memory_space<hbm>> -> memref<32x128xf32, #tpu.memory_space<hbm>>
      %dma_wait3A_48 = arith.constant 0 : i32
      %dma_wait3A_49 = arith.constant 0 : i32
      %dma_wait3A_50 = tpu.memref_slice %arg4[%dma_wait3A_40, %dma_wait3A_48, %dma_wait3A_49] : memref<50x32x16384xf32, #tpu.memory_space<hbm>> -> memref<1x32x128xf32, #tpu.memory_space<hbm>>
      %dma_wait3A_51 = tpu.memref_squeeze %dma_wait3A_50 : memref<1x32x128xf32, #tpu.memory_space<hbm>> -> memref<32x128xf32, #tpu.memory_space<hbm>>
      %dma_wait3A_52 = arith.constant 0 : i32
      %dma_wait3A_53 = arith.constant 0 : i32
      %dma_wait3A_54 = tpu.memref_slice %arg9[%dma_wait3A_52, %dma_wait3A_53] : memref<32x136xf32, #tpu.memory_space<vmem>> -> memref<32x128xf32, #tpu.memory_space<vmem>>
      tpu.wait_dma2 semaphore(%arg14 : memref<!tpu.dma_semaphore, #tpu.memory_space<semaphore_mem>>) src(%dma_wait3A_54 : memref<32x128xf32, #tpu.memory_space<vmem>>) dst(%dma_wait3A_51 : memref<32x128xf32, #tpu.memory_space<hbm>>)
      %dma_wait3A_55 = arith.constant 0 : i32
      %dma_wait3A_56 = arith.constant 0 : i32
      %dma_wait3A_57 = arith.constant 0 : i32
      %dma_wait3A_58 = tpu.memref_slice %arg10[%dma_wait3A_56, %dma_wait3A_57] : memref<32x136xf32, #tpu.memory_space<vmem>> -> memref<32x128xf32, #tpu.memory_space<vmem>>
      %dma_wait3A_59 = arith.constant 0 : i32
      %dma_wait3A_60 = arith.constant 0 : i32
      %dma_wait3A_61 = tpu.memref_slice %arg4[%dma_wait3A_55, %dma_wait3A_59, %dma_wait3A_60] : memref<50x32x16384xf32, #tpu.memory_space<hbm>> -> memref<1x32x128xf32, #tpu.memory_space<hbm>>
      %dma_wait3A_62 = tpu.memref_squeeze %dma_wait3A_61 : memref<1x32x128xf32, #tpu.memory_space<hbm>> -> memref<32x128xf32, #tpu.memory_space<hbm>>
      %dma_wait3A_63 = arith.constant 0 : i32
      %dma_wait3A_64 = arith.constant 0 : i32
      %dma_wait3A_65 = tpu.memref_slice %arg4[%dma_wait3A_55, %dma_wait3A_63, %dma_wait3A_64] : memref<50x32x16384xf32, #tpu.memory_space<hbm>> -> memref<1x32x128xf32, #tpu.memory_space<hbm>>
      %dma_wait3A_66 = tpu.memref_squeeze %dma_wait3A_65 : memref<1x32x128xf32, #tpu.memory_space<hbm>> -> memref<32x128xf32, #tpu.memory_space<hbm>>
      %dma_wait3A_67 = arith.constant 0 : i32
      %dma_wait3A_68 = arith.constant 0 : i32
      %dma_wait3A_69 = tpu.memref_slice %arg10[%dma_wait3A_67, %dma_wait3A_68] : memref<32x136xf32, #tpu.memory_space<vmem>> -> memref<32x128xf32, #tpu.memory_space<vmem>>
      tpu.wait_dma2 semaphore(%arg15 : memref<!tpu.dma_semaphore, #tpu.memory_space<semaphore_mem>>) src(%dma_wait3A_69 : memref<32x128xf32, #tpu.memory_space<vmem>>) dst(%dma_wait3A_66 : memref<32x128xf32, #tpu.memory_space<hbm>>)
    }
    %scan3A_6 = arith.constant 4 : i32
    return
  }
}

</mosaic_0001>

<sc_bundles>
// kernel: kernel.3.cloned.1.call-start
scs
__scs_entry_jumppad:
0x0: {  	(pc) =	sbr.rel $0x88, $3  }
0x1: {  	(tag) =	ssettag $0x0;
	lr =	simm.s32 $0x1  }
0x2: {  	[smem:$0x3F9F] =	sst lr;
	_ =	strace $0xD0000000  }
0x3: {  	_ = 	snop  }
0x4: {  	_ = 	snop  }
0x5: {  	_ = 	snop  }
0x6: {  	_ = 	snop  }
0x7: {  	_ = 	snop  }
__scs_overlays_trampoline_lowered:
0x8: {  	[smem:$0x3FAE] =	sst s0  }
0x9: {  	[smem:$0x3FAF] =	sst s1  }
0xa: {  	[smem:$0x3FB0] =	sst s2  }
0xb: {  	[smem:$0x3FB1] =	sst s3  }
0xc: {  	[smem:$0x3FB2] =	sst s4  }
0xd: {  	[smem:$0x3FB3] =	sst s5  }
0xe: {  	[smem:$0x3FB4] =	sst s6  }
0xf: {  	[smem:$0x3FB5] =	sst s7  }
0x10: {  	[smem:$0x3FB6] =	sst s8  }
0x11: {  	[smem:$0x3FB7] =	sst s9;
	s0 =	simm.s32 @!p0 $0x0  }
0x12: {  	s1 =	sld [smem:$0x3F9D];
	s0 =	simm.s32 @p0 $0x1  }
0x13: {  	[smem:$0x3FB8] =	sst s0;
	s0 =	simm.s32 @!p1 $0x0  }
0x14: {  	s2 =	sld [smem:$0x3F9C];
	s0 =	simm.s32 @p1 $0x1  }
0x15: {  	[smem:$0x3FB9] =	sst s0;
	s0 =	simm.s32 @!p2 $0x0  }
0x16: {  	s3 =	sld [smem:$0x3FDB];
	s0 =	simm.s32 @p2 $0x1  }
0x17: {  	s4 =	simm.s32 $0x1BF5;
	[smem:$0x3FBB] =	sst s0  }
0x18: {  	s0 =	sld [smem:$0x3F9E];
	_ =	swait.ge [sflag:s4], $0x0  }
0x19: {  	s7 =	sld [smem:$0x3F9F]  }
0x1a: {  	s8 =	sadd.s32 $0xFFFFE003, lr  }
0x1b: {  	s9 =	sadd.s32 $0xFFFFFEF7, lr;
	s5 =	simm.s32 $0xFFFFFFFF;
	p2 =	slt.u32 s8, $0xFFFFF086  }
0x1c: {  	p1 =	slt.u32 s9, $0xF7A;
	s5 =	simm.s32 @!p2 $0x0  }
0x1d: {  	s5 =	simm.s32 @p1 $0x1;
	p0 =	seq.s32 s7, s2  }
0x1e: {  	s7 =	smul.u32 @!p0 $0xF7A, s2;
	p2 =	seq.s32 @!p0 s5, $0x0  }
0x1f: {  	s9 =	smul.u32 $0xF7A, s1;
	s8 =	simm.s32 @!p0 $0x1BF5;
	p2 =	por !p2, p0  }
0x20: {  	[sflag:s8] =	ssyncset.s32 @!p0 $0xFFFFF086;
	s6 =	sadd.s32 @!p0 s3, s7;
	s7 =	simm.s32 @!p0 $0x108  }
0x21: {  	s3 =	sadd.s32 s3, s9;
	s6 =	sadd.s32 @!p0 $0x88, s6;
	s7 =	simm.s32 @p2 $0x1082  }
0x22: {  	[simem:s7], [sflag:s8] =	dma.local @!p0 [hbm:s6], $0xF7A  }
0x23: {  	s9 =	sor.u32 $0xD0000000, s2;
	s6 =	simm.s32 $0x108;
	_ =	swait.ge @!p0 [sflag:s8], $0x0  }
0x24: {  	s3 =	sadd.s32 $0x88, s3;
	s6 =	simm.s32 @!p1 $0x1082;
	[sflag:s4] =	ssyncset.s32 $0xFFFFF086  }
0x25: {  	[simem:s6], [sflag:s4] =	dma.local [hbm:s3], $0xF7A  }
0x26: {  	[smem:$0x3F9F] =	sst s1;
	(tag) =	ssettag s2;
	_ =	strace s9  }
0x27: {  	s1 =	sld [smem:$0x3FAF]  }
0x28: {  	s2 =	sld [smem:$0x3FB0]  }
0x29: {  	s4 =	sld [smem:$0x3FB2]  }
0x2a: {  	p0 =	seq.s32 s5, $0x0;
	s5 =	sld [smem:$0x3FB3]  }
0x2b: {  	s6 =	sld [smem:$0x3FB4]  }
0x2c: {  	s7 =	sld [smem:$0x3FB5]  }
0x2d: {  	s3 =	simm.s32 $0x108;
	s8 =	sld [smem:$0x3FB6]  }
0x2e: {  	s3 =	simm.s32 @!p0 $0x1082;
	s9 =	sld [smem:$0x3FB7]  }
0x2f: {  	lr =	sadd.s32 s0, s3;
	s0 =	sld [smem:$0x3FAE]  }
0x30: {  	s3 =	sld [smem:$0x3FB1]  }
0x31: {  	[smem:$0x3FBA] =	sst s10  }
0x32: {  	s10 =	sld [smem:$0x3FB8];
	_ =	sdelay $0x3  }
0x33: {  	p0 =	seq.s32 s10, $0x1;
	s10 =	sld [smem:$0x3FBA];
	_ =	sdelay $0x3  }
0x34: {  	[smem:$0x3FBA] =	sst s10  }
0x35: {  	s10 =	sld [smem:$0x3FB9];
	_ =	sdelay $0x3  }
0x36: {  	p1 =	seq.s32 s10, $0x1;
	s10 =	sld [smem:$0x3FBA];
	_ =	sdelay $0x3  }
0x37: {  	[smem:$0x3FBA] =	sst s10  }
0x38: {  	s10 =	sld [smem:$0x3FBB]  }
0x39: {  	_ = 	snop;
	(pc) =	sbr.ind lr, $3  }
0x3a: {  	_ = 	snop  }
0x3b: {  	_ = 	snop  }
0x3c: {  	p2 =	seq.s32 s10, $0x1;
	s10 =	sld [smem:$0x3FBA]  }
0x3d: {  	_ =	shalt  }
0x3e: {  	_ =	shalt  }
0x3f: {  	_ =	shalt  }
0x40: {  	_ =	shalt  }
0x41: {  	_ =	shalt  }
0x42: {  	_ =	shalt  }
0x43: {  	_ =	shalt  }
0x44: {  	_ =	shalt  }
0x45: {  	_ =	shalt  }
0x46: {  	_ =	shalt  }
0x47: {  	_ =	shalt  }
0x48: {  	_ =	shalt  }
0x49: {  	_ =	shalt  }
0x4a: {  	_ =	shalt  }
0x4b: {  	_ =	shalt  }
0x4c: {  	_ =	shalt  }
0x4d: {  	_ =	shalt  }
0x4e: {  	_ =	shalt  }
0x4f: {  	_ =	shalt  }
0x50: {  	_ =	shalt  }
0x51: {  	_ =	shalt  }
0x52: {  	_ =	shalt  }
0x53: {  	_ =	shalt  }
0x54: {  	_ =	shalt  }
0x55: {  	_ =	shalt  }
0x56: {  	_ =	shalt  }
0x57: {  	_ =	shalt  }
0x58: {  	_ =	shalt  }
0x59: {  	_ =	shalt  }
0x5a: {  	_ =	shalt  }
0x5b: {  	_ =	shalt  }
0x5c: {  	_ =	shalt  }
0x5d: {  	_ =	shalt  }
0x5e: {  	_ =	shalt  }
0x5f: {  	_ =	shalt  }
0x60: {  	_ =	shalt  }
0x61: {  	_ =	shalt  }
0x62: {  	_ =	shalt  }
0x63: {  	_ =	shalt  }
0x64: {  	_ =	shalt  }
0x65: {  	_ =	shalt  }
0x66: {  	_ =	shalt  }
0x67: {  	_ =	shalt  }
0x68: {  	_ =	shalt  }
0x69: {  	_ =	shalt  }
0x6a: {  	_ =	shalt  }
0x6b: {  	_ =	shalt  }
0x6c: {  	_ =	shalt  }
0x6d: {  	_ =	shalt  }
0x6e: {  	_ =	shalt  }
0x6f: {  	_ =	shalt  }
0x70: {  	_ =	shalt  }
0x71: {  	_ =	shalt  }
0x72: {  	_ =	shalt  }
0x73: {  	_ =	shalt  }
0x74: {  	_ =	shalt  }
0x75: {  	_ =	shalt  }
0x76: {  	_ =	shalt  }
0x77: {  	_ =	shalt  }
0x78: {  	_ =	shalt  }
0x79: {  	_ =	shalt  }
0x7a: {  	_ =	shalt  }
0x7b: {  	_ =	shalt  }
0x7c: {  	_ =	shalt  }
0x7d: {  	_ =	shalt  }
0x7e: {  	_ =	shalt  }
0x7f: {  	_ =	shalt  }
0x80: {  	_ =	shalt  }
0x81: {  	_ =	shalt  }
0x82: {  	_ =	shalt  }
0x83: {  	_ =	shalt  }
0x84: {  	_ =	shalt  }
0x85: {  	_ =	shalt  }
0x86: {  	_ =	shalt  }
0x87: {  	_ =	shalt  }
.Lfunc_end0:
.L_simem_size_0:
called_computation_lowered:
.L_overlay_start_0:
0x88: {  	s2 =	sld [smem:$0x3FD9]  }
0x89: {  	s3 =	sld [smem:$0x3FFE];
	_ =	sdelay $0x1  }
0x8a: {  	s1 =	srdreg.scid  }
0x8b: {  	s0 =	sand.u32 $0x1, s1  }
0x8c: {  	s17 =	sshll.u32 s0, $0xA;
	s2 =	sadd.s32 s3, s2  }
0x8d: {  	s2 =	sadd.s32 s2, s17  }
0x8e: {  	[smem:$0x3FC6] =	sst s2  }
0x8f: {  	_ = 	snop  }
0x90: {  	s2 =	sld [smem:$0x3FD0];
	(tm) =	ssettm $0x1  }
0x91: {  	s18 =	sld [smem:$0x3FFB];
	_ =	sdelay $0x3  }
0x92: {  	_ =	strace s18  }
0x93: {  	s3 =	sld [smem:$0x3FFC];
	_ =	sdelay $0x3  }
0x94: {  	_ =	strace s3  }
0x95: {  	s3 =	sld [smem:$0x3FFD];
	_ =	sdelay $0x3  }
0x96: {  	_ =	strace s3  }
0x97: {  	_ =	strace $0x8FFFFFFF  }
0x98: {  	s19 =	sld [smem:$0x3FDB];
	_ =	sdelay $0x1  }
0x99: {  	s4 =	simm.s32 $_scs_section_size  }
0x9a: {  	s5 =	simm.s32 $_size__tile_overlayer_lowered;
	s6 =	simm.s32 $_tile_overlayer_lowered  }
0x9b: {  	s22 =	simm.s32 $0x1BFF;
	s21 =	sshll.u32 s6, $0x1;
	s3 =	sadd.s32 s4, s19  }
0x9c: {  	s7 =	simm.s32 $0x0;
	s20 =	sshll.u32 s5, $0x1;
	s5 =	sadd.s32 s21, s3  }
0x9d: {  	[timem:s7], [sflag:s22] =	dma.local [hbm:s5], s20  }
0x9e: {  	_ =	swait.ge [sflag:s22], s20  }
0x9f: {  	s4 =	ssub.s32 $0x0, s20;
	[sflag:s22] =	ssyncset.done $0x0  }
0xa0: {  	[sflag:s22] =	ssyncadd.s32 s4;
	_ =	sdelay $0x1  }
0xa1: {  	s23 =	simm.s32 $0x1B8B  }
0xa2: {  	_ =	swait.ge [sflag:s23], $0x1  }
0xa3: {  	[sflag:s23] =	ssyncset.done $0x0  }
0xa4: {  	s25 =	simm.s32 $0x1B8E;
	s24 =	sld [smem:$0x3FFE];
	[sflag:s23] =	ssyncadd.s32 $0xFFFFFFFF  }
0xa5: {  	s26 =	simm.s32 $execute0_lowered;
	[smem:$0x3FD2] =	sst s25  }
0xa6: {  	s5 =	sshll.u32 s26, $0x1;
	_ =	strace $0x80000046;
	[dreg:$0x1] =	wrdreg $0xFFFFFFFF  }
0xa7: {  	s28 =	simm.s32 $_size_execute0_lowered;
	s3 =	sadd.s32 s3, s5;
	[dreg:$0x0] =	wrdreg $0x0  }
0xa8: {  	s5 =	sshll.u32 s28, $0x1;
	[dreg:$0x2] =	wrdreg s3  }
0xa9: {  	[dreg:$0x3] =	wrdreg s5  }
0xaa: {  	[dreg:$0x4] =	wrdreg $0xC0  }
0xab: {  	_ =	task [dreg:s7], $0x5FFFF  }
0xac: {  	[dreg:$0x1] =	wrdreg $0xFFFFFFFF  }
0xad: {  	[dreg:$0x0] =	wrdreg $0x60  }
0xae: {  	[dreg:$0x2] =	wrdreg s2  }
0xaf: {  	[dreg:$0x3] =	wrdreg s24  }
0xb0: {  	[dreg:$0x4] =	wrdreg $0x9  }
0xb1: {  	_ =	task.clear_ibuf [dreg:s7], $0x5FFFF;
	_ =	strace $0x90000046  }
0xb2: {  	s29 =	simm.s32 $0x9;
	_ =	strace $0x80000048  }
0xb3: {  	_ =	swait.ge [sflag:s29], $0x1  }
0xb4: {  	[sflag:s29] =	ssyncadd.s32 $0xFFFFFFFF  }
0xb5: {  	_ =	strace $0x90000048  }
0xb6: {  	_ =	sfence  }
0xb7: {  	s30 =	sld [smem:$0x0];
	_ =	sdelay $0x2  }
0xb8: {  	s31 =	sshll.u32 s1, $0xD;
	s1 =	sshrl.u32 s1, $0x2  }
0xb9: {  	s3 =	sand.u32 $0x4000, s31;
	s1 =	sadd.s32 s1, s30  }
0xba: {  	s0 =	sor.u32 s3, s0;
	s1 =	sshll.u32 s1, $0x11  }
0xbb: {  	s0 =	sor.u32 s1, s0  }
0xbc: {  	s0 =	sadd.s32 $0x8F2B, s0  }
0xbd: {  	[sflag:s0] =	ssyncadd.remote.s32 $0x1  }
0xbe: {  	_ =	sfence.sel $0xFFFF  }
0xbf: {  	[dreg:$0x0] =	wrdreg $0xFFFFFFFF;
	(pc) =	sbr.abs _section_cstart, $3  }
0xc0: {  	[dreg:$0x1] =	wrdreg $0xFFFFFFFF  }
0xc1: {  	_ =	task.clear_ibuf [dreg:s7], $0x2FFFF;
	_ =	strace $0x9FFFFFFF  }
0xc2: {  	(tm) =	ssettm $0x7FFFFFFF  }
0xc3: {  	_ =	shalt  }
tec
execute0_lowered:
.L_overlay_start_1:
0x0: {  	(tag) =	ssettag $0x1  }
0x1: {  	v0 =	vlaneseq.u32;
	s1 =	rddreg [dreg:$0x0];
	v17 =	vimm.s32 $0x0  }
0x2: {  	s5 =	rddreg [dreg:$0x1];
	vm0 =	vcmask $0x300;
	v1 =	vmul.u32 $0x38, v0;
	v3 =	vor.u32 $0x10, v0  }
0x3: {  	s0 =	rddreg [dreg:$0x2];
	v5 =	vor.u32 $0x20, v0;
	v7 =	vor.u32 $0x30, v0;
	v9 =	vor.u32 $0x40, v0  }
0x4: {  	s2 =	simm.s32 $0x0;
	s3 =	srdreg.scid;
	s9 =	simm.s32 $0x1C00;
	v11 =	vor.u32 $0x50, v0;
	v13 =	vor.u32 $0x60, v0;
	v14 =	vmul.u32 $0x88, v0  }
0x5: {  	s10 =	simm.s32 $0x80;
	s11 =	simm.s32 $0x3690;
	s12 =	simm.s32 $0x4690;
	v16 =	vor.u32 $0x70, v0;
	v17 =	vsel vm0, $0x3, v17;
	v2 =	vadd.s32 $0x380, v1  }
0x6: {  	s13 =	simm.s32 $0x2;
	s14 =	simm.s32 $0x5690;
	s15 =	simm.s32 $0x3;
	v4 =	vadd.s32 $0x700, v1;
	v6 =	vadd.s32 $0xA80, v1;
	v8 =	vadd.s32 $0xE00, v1  }
0x7: {  	s16 =	simm.s32 $0x5;
	s17 =	simm.s32 $0x6790;
	s18 =	simm.s32 $0x4;
	v10 =	vadd.s32 $0x1180, v1;
	v12 =	vadd.s32 $0x1500, v1;
	v15 =	vadd.s32 $0x1880, v1  }
0x8: {  	s19 =	simm.s32 $0x0;
	[smem:$0x7FF] =	sst s2;
	s6 =	sand.u32 $0x1, s3;
	v18 =	vadd.s32 $0x880, v14;
	v19 =	vor.u32 $0x1, v14;
	v20 =	vadd.s32 $0x881, v14  }
0x9: {  	s4 =	sadd.s32 $0xF42A00, s5;
	s3 =	stileid.u32;
	s7 =	ssub.s32 $0x2, s6;
	v21 =	vor.u32 $0x2, v14;
	v22 =	vadd.s32 $0x882, v14;
	v23 =	vor.u32 $0x3, v14  }
0xa: {  	s5 =	sadd.s32 $0x600, s5;
	_ =	strace $0x80000047;
	s8 =	sshrl.u32 s7, $0x1;
	v24 =	vadd.s32 $0x883, v14;
	v25 =	vor.u32 $0x4, v14;
	v26 =	vadd.s32 $0x884, v14  }
0xb: {  	s31 =	sshll.u32 s3, $0xA;
	s6 =	sshll.u32 s6, $0x9;
	v27 =	vor.u32 $0x5, v14;
	v28 =	vadd.s32 $0x885, v14;
	v29 =	vor.u32 $0x6, v14;
	s7 =	ssub.s32 s7, s8  }
0xc: {  	s6 =	sor.u32 s6, s31;
	v30 =	vadd.s32 $0x886, v14;
	v31 =	vor.u32 $0x7, v14;
	v32 =	vadd.s32 $0x887, v14;
	s8 =	simm.s32 $0x1;
	s7 =	smax.u32 s7, $0x1  }
.LBB2_1:
0xd: {  	s20 =	simm.s32 $0x0  }
.LBB2_2:
0xe: {  	s21 =	sshll.u32 s20, $0x7  }
0xf: {  	s22 =	simm.s32 $0x0;
	s21 =	sadd.s32 s6, s21  }
0x10: {  	v33 =	vmov s22;
	s23 =	smul.u32 $0x7, s21  }
0x11: {  	v34 =	vand.u32 $0x3F, v33  }
0x12: {  	v35 =	vadd.s32 v1, v34;
	s23 =	sadd.s32 s1, s23  }
0x13: {  	[tilespmem:s22], [sflag:$0x1] =	stream.linear.gather [hbm4b:s23+s22], $0x1C00, $0x38;
	[tilespmem:$0x7890] =	vst v63  }
0x14: {  	_ =	swait.ge [sflag:s8], $0x1C00  }
0x15: {  	v33 =	vmul.u32 $0x88, v33;
	[sflag:s8] =	ssyncset.done $0x0  }
0x16: {  	[sflag:s8] =	ssyncadd.s32 $0xFFFFE400  }
0x17: {  	v36 =	vadd.s32 v0, v33;
	v35 =	vld.idx.msk [tilespmem:v35+s2+$0x0], $0xffff  }
0x18: {  	v37 =	vadd.s32 v2, v34;
	_ =	sdelay $0x3  }
0x19: {  	[tilespmem:v36+s9+$0x0] =	vst.idx.msk $0xffff, v35  }
0x1a: {  	v52 =	vadd.s32 v3, v33;
	v35 =	vld.idx.msk [tilespmem:v37+s2+$0x0], $0xffff  }
0x1b: {  	v53 =	vadd.s32 v4, v34;
	_ =	sdelay $0x3  }
0x1c: {  	[tilespmem:v52+s9+$0x0] =	vst.idx.msk $0xffff, v35  }
0x1d: {  	v54 =	vadd.s32 v5, v33;
	v35 =	vld.idx.msk [tilespmem:v53+s2+$0x0], $0xffff  }
0x1e: {  	v55 =	vadd.s32 v6, v34;
	_ =	sdelay $0x3  }
0x1f: {  	[tilespmem:v54+s9+$0x0] =	vst.idx.msk $0xffff, v35  }
0x20: {  	v56 =	vadd.s32 v7, v33;
	v35 =	vld.idx.msk [tilespmem:v55+s2+$0x0], $0xffff  }
0x21: {  	v57 =	vadd.s32 v8, v34;
	_ =	sdelay $0x3  }
0x22: {  	[tilespmem:v56+s9+$0x0] =	vst.idx.msk $0xffff, v35  }
0x23: {  	v58 =	vadd.s32 v9, v33;
	v35 =	vld.idx.msk [tilespmem:v57+s2+$0x0], $0xffff  }
0x24: {  	v59 =	vadd.s32 v10, v34;
	_ =	sdelay $0x3  }
0x25: {  	[tilespmem:v58+s9+$0x0] =	vst.idx.msk $0xffff, v35  }
0x26: {  	v60 =	vadd.s32 v11, v33;
	v35 =	vld.idx.msk [tilespmem:v59+s2+$0x0], $0xffff  }
0x27: {  	v61 =	vadd.s32 v12, v34;
	_ =	sdelay $0x3  }
0x28: {  	[tilespmem:v60+s9+$0x0] =	vst.idx.msk $0xffff, v35  }
0x29: {  	v62 =	vadd.s32 v13, v33;
	v35 =	vld.idx.msk [tilespmem:v61+s2+$0x0], $0xffff  }
0x2a: {  	v63 =	vadd.s32 v15, v34;
	_ =	sdelay $0x3  }
0x2b: {  	s31 =	simm.s32 $0x1;
	[tilespmem:v62+s9+$0x0] =	vst.idx.msk $0xffff, v35  }
0x2c: {  	v34 =	vmov s31;
	s22 =	simm.s32 $0x2;
	v35 =	vld.idx.msk [tilespmem:v63+s2+$0x0], $0xffff  }
.LBB2_3:
0x2d: {  	p0 =	sne.s32 s22, $0x31;
	v36 =	vand.u32 $0x3F, v34;
	v37 =	vadd.s32 v16, v33  }
0x2e: {  	v38 =	vadd.s32 v1, v36;
	_ =	sdelay $0x3  }
0x2f: {  	v33 =	vmul.u32 $0x88, v34;
	[tilespmem:v37+s9+$0x0] =	vst.idx.msk $0xffff, v35  }
0x30: {  	v34 =	vld.idx.msk [tilespmem:v38+s2+$0x0], $0xffff  }
0x31: {  	v35 =	vadd.s32 v0, v33  }
0x32: {  	v37 =	vadd.s32 v2, v36;
	_ =	sdelay $0x3  }
0x33: {  	[tilespmem:v35+s9+$0x0] =	vst.idx.msk $0xffff, v34  }
0x34: {  	v34 =	vld.idx.msk [tilespmem:v37+s2+$0x0], $0xffff  }
0x35: {  	v35 =	vadd.s32 v3, v33  }
0x36: {  	v37 =	vadd.s32 v4, v36;
	_ =	sdelay $0x3  }
0x37: {  	[tilespmem:v35+s9+$0x0] =	vst.idx.msk $0xffff, v34  }
0x38: {  	v34 =	vld.idx.msk [tilespmem:v37+s2+$0x0], $0xffff  }
0x39: {  	v35 =	vadd.s32 v5, v33  }
0x3a: {  	v37 =	vadd.s32 v6, v36;
	_ =	sdelay $0x3  }
0x3b: {  	[tilespmem:v35+s9+$0x0] =	vst.idx.msk $0xffff, v34  }
0x3c: {  	v34 =	vld.idx.msk [tilespmem:v37+s2+$0x0], $0xffff  }
0x3d: {  	v35 =	vadd.s32 v7, v33  }
0x3e: {  	v37 =	vadd.s32 v8, v36;
	_ =	sdelay $0x3  }
0x3f: {  	[tilespmem:v35+s9+$0x0] =	vst.idx.msk $0xffff, v34  }
0x40: {  	v34 =	vld.idx.msk [tilespmem:v37+s2+$0x0], $0xffff  }
0x41: {  	v35 =	vadd.s32 v9, v33  }
0x42: {  	v37 =	vadd.s32 v10, v36;
	_ =	sdelay $0x3  }
0x43: {  	[tilespmem:v35+s9+$0x0] =	vst.idx.msk $0xffff, v34  }
0x44: {  	v34 =	vld.idx.msk [tilespmem:v37+s2+$0x0], $0xffff  }
0x45: {  	v35 =	vadd.s32 v11, v33  }
0x46: {  	v37 =	vadd.s32 v12, v36;
	_ =	sdelay $0x3  }
0x47: {  	[tilespmem:v35+s9+$0x0] =	vst.idx.msk $0xffff, v34  }
0x48: {  	v34 =	vld.idx.msk [tilespmem:v37+s2+$0x0], $0xffff  }
0x49: {  	v35 =	vadd.s32 v13, v33  }
0x4a: {  	v36 =	vadd.s32 v15, v36  }
.Ltmp0:
0x4b: {  	(pc) =	sbr.rel @p0 .LBB2_3-.Ltmp0, $3  }
0x4c: {  	_ =	sdelay $0x1  }
0x4d: {  	[tilespmem:v35+s9+$0x0] =	vst.idx.msk $0xffff, v34  }
0x4e: {  	v34 =	vmov s22;
	s22 =	sadd.s32 $0x1, s22;
	v35 =	vld.idx.msk [tilespmem:v36+s2+$0x0], $0xffff  }
0x4f: {  	v36 =	vand.u32 $0x3F, v34;
	v33 =	vadd.s32 v16, v33  }
0x50: {  	v37 =	vadd.s32 v1, v36;
	_ =	sdelay $0x2  }
0x51: {  	v50 =	vmul.u32 $0x88, v34  }
0x52: {  	[tilespmem:v33+s9+$0x0] =	vst.idx.msk $0xffff, v35  }
0x53: {  	v51 =	vadd.s32 v0, v50;
	v33 =	vld.idx.msk [tilespmem:v37+s2+$0x0], $0xffff  }
0x54: {  	v52 =	vadd.s32 v2, v36;
	_ =	sdelay $0x3  }
0x55: {  	[tilespmem:v51+s9+$0x0] =	vst.idx.msk $0xffff, v33  }
0x56: {  	v53 =	vadd.s32 v3, v50;
	v33 =	vld.idx.msk [tilespmem:v52+s2+$0x0], $0xffff  }
0x57: {  	v54 =	vadd.s32 v4, v36;
	_ =	sdelay $0x3  }
0x58: {  	[tilespmem:v53+s9+$0x0] =	vst.idx.msk $0xffff, v33  }
0x59: {  	v55 =	vadd.s32 v5, v50;
	v33 =	vld.idx.msk [tilespmem:v54+s2+$0x0], $0xffff  }
0x5a: {  	v56 =	vadd.s32 v6, v36;
	_ =	sdelay $0x3  }
0x5b: {  	[tilespmem:v55+s9+$0x0] =	vst.idx.msk $0xffff, v33  }
0x5c: {  	v57 =	vadd.s32 v7, v50;
	v33 =	vld.idx.msk [tilespmem:v56+s2+$0x0], $0xffff  }
0x5d: {  	v58 =	vadd.s32 v8, v36;
	_ =	sdelay $0x3  }
0x5e: {  	[tilespmem:v57+s9+$0x0] =	vst.idx.msk $0xffff, v33  }
0x5f: {  	v59 =	vadd.s32 v9, v50;
	v33 =	vld.idx.msk [tilespmem:v58+s2+$0x0], $0xffff  }
0x60: {  	v60 =	vadd.s32 v10, v36;
	_ =	sdelay $0x3  }
0x61: {  	[tilespmem:v59+s9+$0x0] =	vst.idx.msk $0xffff, v33  }
0x62: {  	v61 =	vadd.s32 v11, v50;
	v33 =	vld.idx.msk [tilespmem:v60+s2+$0x0], $0xffff  }
0x63: {  	v62 =	vadd.s32 v12, v36;
	_ =	sdelay $0x3  }
0x64: {  	[tilespmem:v61+s9+$0x0] =	vst.idx.msk $0xffff, v33  }
0x65: {  	v63 =	vadd.s32 v13, v50;
	v33 =	vld.idx.msk [tilespmem:v62+s2+$0x0], $0xffff  }
0x66: {  	v36 =	vadd.s32 v15, v36;
	_ =	sdelay $0x3  }
0x67: {  	[tilespmem:v63+s9+$0x0] =	vst.idx.msk $0xffff, v33  }
0x68: {  	v34 =	vadd.s32 v16, v50;
	v33 =	vld.idx.msk [tilespmem:v36+s2+$0x0], $0xffff;
	_ =	sdelay $0x4  }
0x69: {  	s22 =	simm.s32 $0x0;
	s23 =	simm.s32 $0x0;
	[tilespmem:v34+s9+$0x0] =	vst.idx.msk $0xffff, v33  }
0x6a: {  	[tilespmem:s11], [sflag:$0x2] =	stream.indirect.gather [hbm4b:s4+s10], $0x20, s9, s10, $0xb8;
	[tilespmem:$0x7890] =	vst v63  }
.LBB2_5:
0x6b: {  	s24 =	sshllo.u32 s23, $0x1  }
0x6c: {  	s25 =	smul.u32 $0x220, s24;
	_ =	sdelay $0x1  }
0x6d: {  	s25 =	sshra.s32 s25, $0x2  }
0x6e: {  	s25 =	sadd.s32 $0x1C00, s25  }
0x6f: {  	[tilespmem:s12], [sflag:$0x3] =	stream.indirect.gather [hbm4b:s4+s10], $0x20, s25, s10, $0xb8;
	[tilespmem:$0x7890] =	vst v63  }
0x70: {  	_ =	swait.ge [sflag:s13], $0x1000  }
0x71: {  	p0 =	seq.s32 s23, $0x0;
	v33 =	vmov s22;
	[sflag:s13] =	ssyncset.done $0x0  }
0x72: {  	v33 =	vshrl.u32 v33, $0x3;
	s25 =	simm.s32 @!p0 $0x4;
	[sflag:s13] =	ssyncadd.s32 $0xFFFFF000  }
0x73: {  	v33 =	vshll.u32 v33, v17;
	_ =	swait.ge @!p0 [sflag:s25], $0x1000  }
0x74: {  	v33 =	vbroadcast v33, $0x0;
	[sflag:s25] =	ssyncset.done @!p0 $0x0  }
0x75: {  	[sflag:s25] =	ssyncadd.s32 @!p0 $0xFFFFF000;
	s25 =	simm.s32 $0x3790  }
0x76: {  	v35 =	vadd.s32 v14, v33;
	v34 =	vld [tilespmem:s25+$0xFFFFFF00];
	_ =	sdelay $0x4  }
0x77: {  	[tilespmem:v35+s14+$0x0] =	vst.idx.msk $0xffff, v34  }
0x78: {  	s26 =	simm.s32 $0x1;
	v33 =	vadd.s32 v18, v33;
	v34 =	vld [tilespmem:s25+$0xFFFFFF10]  }
0x79: {  	v48 =	vmov s26  }
0x7a: {  	v35 =	vshrl.u32 v48, $0x3  }
0x7b: {  	v35 =	vshll.u32 v35, v17  }
0x7c: {  	v35 =	vbroadcast v35, $0x0  }
0x7d: {  	[tilespmem:v33+s14+$0x0] =	vst.idx.msk $0xffff, v34  }
0x7e: {  	v49 =	vadd.s32 v19, v35;
	v33 =	vld [tilespmem:s25+$0xFFFFFF20];
	_ =	sdelay $0x4  }
0x7f: {  	[tilespmem:v49+s14+$0x0] =	vst.idx.msk $0xffff, v33  }
0x80: {  	s30 =	simm.s32 $0x2;
	v50 =	vadd.s32 v20, v35;
	v33 =	vld [tilespmem:s25+$0xFFFFFF30]  }
0x81: {  	v51 =	vmov s30  }
0x82: {  	v35 =	vshrl.u32 v51, $0x3  }
0x83: {  	v35 =	vshll.u32 v35, v17  }
0x84: {  	v35 =	vbroadcast v35, $0x0  }
0x85: {  	[tilespmem:v50+s14+$0x0] =	vst.idx.msk $0xffff, v33  }
0x86: {  	v52 =	vadd.s32 v21, v35;
	v33 =	vld [tilespmem:s25+$0xFFFFFF40];
	_ =	sdelay $0x4  }
0x87: {  	[tilespmem:v52+s14+$0x0] =	vst.idx.msk $0xffff, v33  }
0x88: {  	s31 =	simm.s32 $0x3;
	v53 =	vadd.s32 v22, v35;
	v33 =	vld [tilespmem:s25+$0xFFFFFF50]  }
0x89: {  	v54 =	vmov s31  }
0x8a: {  	v35 =	vshrl.u32 v54, $0x3  }
0x8b: {  	v35 =	vshll.u32 v35, v17  }
0x8c: {  	v35 =	vbroadcast v35, $0x0  }
0x8d: {  	[tilespmem:v53+s14+$0x0] =	vst.idx.msk $0xffff, v33  }
0x8e: {  	v55 =	vadd.s32 v23, v35;
	v33 =	vld [tilespmem:s25+$0xFFFFFF60];
	_ =	sdelay $0x4  }
0x8f: {  	[tilespmem:v55+s14+$0x0] =	vst.idx.msk $0xffff, v33  }
0x90: {  	s29 =	simm.s32 $0x4;
	v56 =	vadd.s32 v24, v35;
	v33 =	vld [tilespmem:s25+$0xFFFFFF70]  }
0x91: {  	v57 =	vmov s29  }
0x92: {  	v35 =	vshrl.u32 v57, $0x3  }
0x93: {  	v35 =	vshll.u32 v35, v17  }
0x94: {  	v35 =	vbroadcast v35, $0x0  }
0x95: {  	[tilespmem:v56+s14+$0x0] =	vst.idx.msk $0xffff, v33  }
0x96: {  	v58 =	vadd.s32 v25, v35;
	v33 =	vld [tilespmem:s25+$0xFFFFFF80];
	_ =	sdelay $0x4  }
0x97: {  	[tilespmem:v58+s14+$0x0] =	vst.idx.msk $0xffff, v33  }
0x98: {  	s30 =	simm.s32 $0x5;
	v59 =	vadd.s32 v26, v35;
	v33 =	vld [tilespmem:s25+$0xFFFFFF90]  }
0x99: {  	v60 =	vmov s30  }
0x9a: {  	v35 =	vshrl.u32 v60, $0x3  }
0x9b: {  	v35 =	vshll.u32 v35, v17  }
0x9c: {  	v35 =	vbroadcast v35, $0x0  }
0x9d: {  	[tilespmem:v59+s14+$0x0] =	vst.idx.msk $0xffff, v33  }
0x9e: {  	v61 =	vadd.s32 v27, v35;
	v33 =	vld [tilespmem:s25+$0xFFFFFFA0];
	_ =	sdelay $0x4  }
0x9f: {  	[tilespmem:v61+s14+$0x0] =	vst.idx.msk $0xffff, v33  }
0xa0: {  	s31 =	simm.s32 $0x6;
	v62 =	vadd.s32 v28, v35;
	v33 =	vld [tilespmem:s25+$0xFFFFFFB0]  }
0xa1: {  	v63 =	vmov s31  }
0xa2: {  	v35 =	vshrl.u32 v63, $0x3  }
0xa3: {  	v35 =	vshll.u32 v35, v17  }
0xa4: {  	v35 =	vbroadcast v35, $0x0  }
0xa5: {  	[tilespmem:v62+s14+$0x0] =	vst.idx.msk $0xffff, v33  }
0xa6: {  	v36 =	vadd.s32 v29, v35;
	v33 =	vld [tilespmem:s25+$0xFFFFFFC0];
	_ =	sdelay $0x4  }
0xa7: {  	[tilespmem:v36+s14+$0x0] =	vst.idx.msk $0xffff, v33  }
0xa8: {  	s29 =	simm.s32 $0x7;
	v37 =	vadd.s32 v30, v35;
	v33 =	vld [tilespmem:s25+$0xFFFFFFD0]  }
0xa9: {  	v38 =	vmov s29  }
0xaa: {  	v35 =	vshrl.u32 v38, $0x3  }
0xab: {  	v35 =	vshll.u32 v35, v17  }
0xac: {  	v35 =	vbroadcast v35, $0x0  }
0xad: {  	[tilespmem:v37+s14+$0x0] =	vst.idx.msk $0xffff, v33  }
0xae: {  	v39 =	vadd.s32 v31, v35;
	v33 =	vld [tilespmem:s25+$0xFFFFFFE0];
	_ =	sdelay $0x4  }
0xaf: {  	[tilespmem:v39+s14+$0x0] =	vst.idx.msk $0xffff, v33  }
0xb0: {  	s30 =	simm.s32 $0x8;
	v40 =	vadd.s32 v32, v35;
	v33 =	vld [tilespmem:s25+$0xFFFFFFF0]  }
0xb1: {  	v41 =	vmov s30  }
0xb2: {  	v35 =	vshrl.u32 v41, $0x3  }
0xb3: {  	v35 =	vshll.u32 v35, v17  }
0xb4: {  	v35 =	vbroadcast v35, $0x0  }
0xb5: {  	[tilespmem:v40+s14+$0x0] =	vst.idx.msk $0xffff, v33  }
0xb6: {  	v42 =	vadd.s32 v14, v35;
	v33 =	vld [tilespmem:s25+$0x0];
	_ =	sdelay $0x4  }
0xb7: {  	[tilespmem:v42+s14+$0x0] =	vst.idx.msk $0xffff, v33  }
0xb8: {  	s31 =	simm.s32 $0x9;
	v43 =	vadd.s32 v18, v35;
	v33 =	vld [tilespmem:s25+$0x10]  }
0xb9: {  	v44 =	vmov s31  }
0xba: {  	v35 =	vshrl.u32 v44, $0x3  }
0xbb: {  	v35 =	vshll.u32 v35, v17  }
0xbc: {  	v35 =	vbroadcast v35, $0x0  }
0xbd: {  	[tilespmem:v43+s14+$0x0] =	vst.idx.msk $0xffff, v33  }
0xbe: {  	v45 =	vadd.s32 v19, v35;
	v33 =	vld [tilespmem:s25+$0x20];
	_ =	sdelay $0x4  }
0xbf: {  	[tilespmem:v45+s14+$0x0] =	vst.idx.msk $0xffff, v33  }
0xc0: {  	s29 =	simm.s32 $0xA;
	v46 =	vadd.s32 v20, v35;
	v33 =	vld [tilespmem:s25+$0x30]  }
0xc1: {  	v47 =	vmov s29  }
0xc2: {  	v35 =	vshrl.u32 v47, $0x3  }
0xc3: {  	v35 =	vshll.u32 v35, v17  }
0xc4: {  	v35 =	vbroadcast v35, $0x0  }
0xc5: {  	[tilespmem:v46+s14+$0x0] =	vst.idx.msk $0xffff, v33  }
0xc6: {  	v48 =	vadd.s32 v21, v35;
	v33 =	vld [tilespmem:s25+$0x40];
	_ =	sdelay $0x4  }
0xc7: {  	[tilespmem:v48+s14+$0x0] =	vst.idx.msk $0xffff, v33  }
0xc8: {  	s30 =	simm.s32 $0xB;
	v49 =	vadd.s32 v22, v35;
	v33 =	vld [tilespmem:s25+$0x50]  }
0xc9: {  	v50 =	vmov s30  }
0xca: {  	v35 =	vshrl.u32 v50, $0x3  }
0xcb: {  	v35 =	vshll.u32 v35, v17  }
0xcc: {  	v35 =	vbroadcast v35, $0x0  }
0xcd: {  	[tilespmem:v49+s14+$0x0] =	vst.idx.msk $0xffff, v33  }
0xce: {  	v51 =	vadd.s32 v23, v35;
	v33 =	vld [tilespmem:s25+$0x60];
	_ =	sdelay $0x4  }
0xcf: {  	[tilespmem:v51+s14+$0x0] =	vst.idx.msk $0xffff, v33  }
0xd0: {  	s31 =	simm.s32 $0xC;
	v52 =	vadd.s32 v24, v35;
	v33 =	vld [tilespmem:s25+$0x70]  }
0xd1: {  	v53 =	vmov s31  }
0xd2: {  	v35 =	vshrl.u32 v53, $0x3  }
0xd3: {  	v35 =	vshll.u32 v35, v17  }
0xd4: {  	v35 =	vbroadcast v35, $0x0  }
0xd5: {  	[tilespmem:v52+s14+$0x0] =	vst.idx.msk $0xffff, v33  }
0xd6: {  	v54 =	vadd.s32 v25, v35;
	v33 =	vld [tilespmem:s25+$0x80];
	_ =	sdelay $0x4  }
0xd7: {  	[tilespmem:v54+s14+$0x0] =	vst.idx.msk $0xffff, v33  }
0xd8: {  	s29 =	simm.s32 $0xD;
	v55 =	vadd.s32 v26, v35;
	v33 =	vld [tilespmem:s25+$0x90]  }
0xd9: {  	v56 =	vmov s29  }
0xda: {  	v35 =	vshrl.u32 v56, $0x3  }
0xdb: {  	v35 =	vshll.u32 v35, v17  }
0xdc: {  	v35 =	vbroadcast v35, $0x0  }
0xdd: {  	[tilespmem:v55+s14+$0x0] =	vst.idx.msk $0xffff, v33  }
0xde: {  	v57 =	vadd.s32 v27, v35;
	v33 =	vld [tilespmem:s25+$0xA0];
	_ =	sdelay $0x4  }
0xdf: {  	[tilespmem:v57+s14+$0x0] =	vst.idx.msk $0xffff, v33  }
0xe0: {  	s30 =	simm.s32 $0xE;
	v58 =	vadd.s32 v28, v35;
	v33 =	vld [tilespmem:s25+$0xB0]  }
0xe1: {  	v59 =	vmov s30  }
0xe2: {  	v35 =	vshrl.u32 v59, $0x3  }
0xe3: {  	v35 =	vshll.u32 v35, v17  }
0xe4: {  	v35 =	vbroadcast v35, $0x0  }
0xe5: {  	[tilespmem:v58+s14+$0x0] =	vst.idx.msk $0xffff, v33  }
0xe6: {  	v60 =	vadd.s32 v29, v35;
	v33 =	vld [tilespmem:s25+$0xC0];
	_ =	sdelay $0x4  }
0xe7: {  	[tilespmem:v60+s14+$0x0] =	vst.idx.msk $0xffff, v33  }
0xe8: {  	s31 =	simm.s32 $0xF;
	v61 =	vadd.s32 v30, v35;
	v33 =	vld [tilespmem:s25+$0xD0]  }
0xe9: {  	v62 =	vmov s31  }
0xea: {  	v35 =	vshrl.u32 v62, $0x3  }
0xeb: {  	v35 =	vshll.u32 v35, v17  }
0xec: {  	v35 =	vbroadcast v35, $0x0  }
0xed: {  	[tilespmem:v61+s14+$0x0] =	vst.idx.msk $0xffff, v33  }
0xee: {  	v63 =	vadd.s32 v31, v35;
	v33 =	vld [tilespmem:s25+$0xE0];
	_ =	sdelay $0x4  }
0xef: {  	[tilespmem:v63+s14+$0x0] =	vst.idx.msk $0xffff, v33  }
0xf0: {  	s26 =	simm.s32 $0x10;
	v34 =	vadd.s32 v32, v35;
	v33 =	vld [tilespmem:s25+$0xF0]  }
0xf1: {  	s28 =	simm.s32 $0x20;
	v35 =	vmov s26  }
.LBB2_6:
0xf2: {  	p1 =	slt.u32 s28, $0x70;
	v35 =	vshrl.u32 v35, $0x3  }
0xf3: {  	v35 =	vshll.u32 v35, v17  }
0xf4: {  	v35 =	vbroadcast v35, $0x0  }
0xf5: {  	s25 =	sadd.s32 $0x200, s25;
	[tilespmem:v34+s14+$0x0] =	vst.idx.msk $0xffff, v33  }
0xf6: {  	v33 =	vld [tilespmem:s25+$0xFFFFFF00];
	v34 =	vadd.s32 v14, v35;
	_ =	sdelay $0x4  }
0xf7: {  	[tilespmem:v34+s14+$0x0] =	vst.idx.msk $0xffff, v33  }
0xf8: {  	s29 =	sadd.s32 $0x1, s26;
	v34 =	vadd.s32 v18, v35;
	v33 =	vld [tilespmem:s25+$0xFFFFFF10]  }
0xf9: {  	v35 =	vmov s29  }
0xfa: {  	v35 =	vshrl.u32 v35, $0x3  }
0xfb: {  	v35 =	vshll.u32 v35, v17  }
0xfc: {  	v35 =	vbroadcast v35, $0x0  }
0xfd: {  	[tilespmem:v34+s14+$0x0] =	vst.idx.msk $0xffff, v33  }
0xfe: {  	v34 =	vadd.s32 v19, v35;
	v33 =	vld [tilespmem:s25+$0xFFFFFF20];
	_ =	sdelay $0x4  }
0xff: {  	[tilespmem:v34+s14+$0x0] =	vst.idx.msk $0xffff, v33  }
0x100: {  	s29 =	sadd.s32 $0x2, s26;
	v34 =	vadd.s32 v20, v35;
	v33 =	vld [tilespmem:s25+$0xFFFFFF30]  }
0x101: {  	v35 =	vmov s29  }
0x102: {  	v35 =	vshrl.u32 v35, $0x3  }
0x103: {  	v35 =	vshll.u32 v35, v17  }
0x104: {  	v35 =	vbroadcast v35, $0x0  }
0x105: {  	[tilespmem:v34+s14+$0x0] =	vst.idx.msk $0xffff, v33  }
0x106: {  	v34 =	vadd.s32 v21, v35;
	v33 =	vld [tilespmem:s25+$0xFFFFFF40];
	_ =	sdelay $0x4  }
0x107: {  	[tilespmem:v34+s14+$0x0] =	vst.idx.msk $0xffff, v33  }
0x108: {  	s29 =	sadd.s32 $0x3, s26;
	v34 =	vadd.s32 v22, v35;
	v33 =	vld [tilespmem:s25+$0xFFFFFF50]  }
0x109: {  	v35 =	vmov s29  }
0x10a: {  	v35 =	vshrl.u32 v35, $0x3  }
0x10b: {  	v35 =	vshll.u32 v35, v17  }
0x10c: {  	v35 =	vbroadcast v35, $0x0  }
0x10d: {  	[tilespmem:v34+s14+$0x0] =	vst.idx.msk $0xffff, v33  }
0x10e: {  	v34 =	vadd.s32 v23, v35;
	v33 =	vld [tilespmem:s25+$0xFFFFFF60];
	_ =	sdelay $0x4  }
0x10f: {  	[tilespmem:v34+s14+$0x0] =	vst.idx.msk $0xffff, v33  }
0x110: {  	s29 =	sadd.s32 $0x4, s26;
	v34 =	vadd.s32 v24, v35;
	v33 =	vld [tilespmem:s25+$0xFFFFFF70]  }
0x111: {  	v35 =	vmov s29  }
0x112: {  	v35 =	vshrl.u32 v35, $0x3  }
0x113: {  	v35 =	vshll.u32 v35, v17  }
0x114: {  	v35 =	vbroadcast v35, $0x0  }
0x115: {  	[tilespmem:v34+s14+$0x0] =	vst.idx.msk $0xffff, v33  }
0x116: {  	v34 =	vadd.s32 v25, v35;
	v33 =	vld [tilespmem:s25+$0xFFFFFF80];
	_ =	sdelay $0x4  }
0x117: {  	[tilespmem:v34+s14+$0x0] =	vst.idx.msk $0xffff, v33  }
0x118: {  	s29 =	sadd.s32 $0x5, s26;
	v34 =	vadd.s32 v26, v35;
	v33 =	vld [tilespmem:s25+$0xFFFFFF90]  }
0x119: {  	v35 =	vmov s29  }
0x11a: {  	v35 =	vshrl.u32 v35, $0x3  }
0x11b: {  	v35 =	vshll.u32 v35, v17  }
0x11c: {  	v35 =	vbroadcast v35, $0x0  }
0x11d: {  	[tilespmem:v34+s14+$0x0] =	vst.idx.msk $0xffff, v33  }
0x11e: {  	v34 =	vadd.s32 v27, v35;
	v33 =	vld [tilespmem:s25+$0xFFFFFFA0];
	_ =	sdelay $0x4  }
0x11f: {  	[tilespmem:v34+s14+$0x0] =	vst.idx.msk $0xffff, v33  }
0x120: {  	s29 =	sadd.s32 $0x6, s26;
	v34 =	vadd.s32 v28, v35;
	v33 =	vld [tilespmem:s25+$0xFFFFFFB0]  }
0x121: {  	v35 =	vmov s29  }
0x122: {  	v35 =	vshrl.u32 v35, $0x3  }
0x123: {  	v35 =	vshll.u32 v35, v17  }
0x124: {  	v35 =	vbroadcast v35, $0x0  }
0x125: {  	[tilespmem:v34+s14+$0x0] =	vst.idx.msk $0xffff, v33  }
0x126: {  	v34 =	vadd.s32 v29, v35;
	v33 =	vld [tilespmem:s25+$0xFFFFFFC0];
	_ =	sdelay $0x4  }
0x127: {  	[tilespmem:v34+s14+$0x0] =	vst.idx.msk $0xffff, v33  }
0x128: {  	s29 =	sadd.s32 $0x7, s26;
	v34 =	vadd.s32 v30, v35;
	v33 =	vld [tilespmem:s25+$0xFFFFFFD0]  }
0x129: {  	v35 =	vmov s29  }
0x12a: {  	v35 =	vshrl.u32 v35, $0x3  }
0x12b: {  	v35 =	vshll.u32 v35, v17  }
0x12c: {  	v35 =	vbroadcast v35, $0x0  }
0x12d: {  	[tilespmem:v34+s14+$0x0] =	vst.idx.msk $0xffff, v33  }
0x12e: {  	v34 =	vadd.s32 v31, v35;
	v33 =	vld [tilespmem:s25+$0xFFFFFFE0];
	_ =	sdelay $0x4  }
0x12f: {  	[tilespmem:v34+s14+$0x0] =	vst.idx.msk $0xffff, v33  }
0x130: {  	s29 =	sadd.s32 $0x8, s26;
	v34 =	vadd.s32 v32, v35;
	v33 =	vld [tilespmem:s25+$0xFFFFFFF0]  }
0x131: {  	v35 =	vmov s29  }
0x132: {  	v35 =	vshrl.u32 v35, $0x3  }
0x133: {  	v35 =	vshll.u32 v35, v17  }
0x134: {  	v35 =	vbroadcast v35, $0x0  }
0x135: {  	[tilespmem:v34+s14+$0x0] =	vst.idx.msk $0xffff, v33  }
0x136: {  	v34 =	vadd.s32 v14, v35;
	v33 =	vld [tilespmem:s25+$0x0];
	_ =	sdelay $0x4  }
0x137: {  	[tilespmem:v34+s14+$0x0] =	vst.idx.msk $0xffff, v33  }
0x138: {  	s29 =	sadd.s32 $0x9, s26;
	v34 =	vadd.s32 v18, v35;
	v33 =	vld [tilespmem:s25+$0x10]  }
0x139: {  	v35 =	vmov s29  }
0x13a: {  	v35 =	vshrl.u32 v35, $0x3  }
0x13b: {  	v35 =	vshll.u32 v35, v17  }
0x13c: {  	v35 =	vbroadcast v35, $0x0  }
0x13d: {  	[tilespmem:v34+s14+$0x0] =	vst.idx.msk $0xffff, v33  }
0x13e: {  	v34 =	vadd.s32 v19, v35;
	v33 =	vld [tilespmem:s25+$0x20];
	_ =	sdelay $0x4  }
0x13f: {  	[tilespmem:v34+s14+$0x0] =	vst.idx.msk $0xffff, v33  }
0x140: {  	s29 =	sadd.s32 $0xA, s26;
	v34 =	vadd.s32 v20, v35;
	v33 =	vld [tilespmem:s25+$0x30]  }
0x141: {  	v35 =	vmov s29  }
0x142: {  	v35 =	vshrl.u32 v35, $0x3  }
0x143: {  	v35 =	vshll.u32 v35, v17  }
0x144: {  	v35 =	vbroadcast v35, $0x0  }
0x145: {  	[tilespmem:v34+s14+$0x0] =	vst.idx.msk $0xffff, v33  }
0x146: {  	v34 =	vadd.s32 v21, v35;
	v33 =	vld [tilespmem:s25+$0x40];
	_ =	sdelay $0x4  }
0x147: {  	[tilespmem:v34+s14+$0x0] =	vst.idx.msk $0xffff, v33  }
0x148: {  	s29 =	sadd.s32 $0xB, s26;
	v34 =	vadd.s32 v22, v35;
	v33 =	vld [tilespmem:s25+$0x50]  }
0x149: {  	v35 =	vmov s29  }
0x14a: {  	v35 =	vshrl.u32 v35, $0x3  }
0x14b: {  	v35 =	vshll.u32 v35, v17  }
0x14c: {  	v35 =	vbroadcast v35, $0x0  }
0x14d: {  	[tilespmem:v34+s14+$0x0] =	vst.idx.msk $0xffff, v33  }
0x14e: {  	v34 =	vadd.s32 v23, v35;
	v33 =	vld [tilespmem:s25+$0x60];
	_ =	sdelay $0x4  }
0x14f: {  	[tilespmem:v34+s14+$0x0] =	vst.idx.msk $0xffff, v33  }
0x150: {  	s29 =	sadd.s32 $0xC, s26;
	v34 =	vadd.s32 v24, v35;
	v33 =	vld [tilespmem:s25+$0x70]  }
0x151: {  	v35 =	vmov s29  }
0x152: {  	v35 =	vshrl.u32 v35, $0x3  }
0x153: {  	v35 =	vshll.u32 v35, v17  }
0x154: {  	v35 =	vbroadcast v35, $0x0  }
0x155: {  	[tilespmem:v34+s14+$0x0] =	vst.idx.msk $0xffff, v33  }
0x156: {  	v34 =	vadd.s32 v25, v35;
	v33 =	vld [tilespmem:s25+$0x80];
	_ =	sdelay $0x4  }
0x157: {  	[tilespmem:v34+s14+$0x0] =	vst.idx.msk $0xffff, v33  }
0x158: {  	s29 =	sadd.s32 $0xD, s26;
	v34 =	vadd.s32 v26, v35;
	v33 =	vld [tilespmem:s25+$0x90]  }
0x159: {  	v35 =	vmov s29  }
0x15a: {  	v35 =	vshrl.u32 v35, $0x3  }
0x15b: {  	v35 =	vshll.u32 v35, v17  }
0x15c: {  	v35 =	vbroadcast v35, $0x0  }
0x15d: {  	[tilespmem:v34+s14+$0x0] =	vst.idx.msk $0xffff, v33  }
0x15e: {  	v34 =	vadd.s32 v27, v35;
	v33 =	vld [tilespmem:s25+$0xA0];
	_ =	sdelay $0x4  }
0x15f: {  	[tilespmem:v34+s14+$0x0] =	vst.idx.msk $0xffff, v33  }
0x160: {  	s29 =	sadd.s32 $0xE, s26;
	v34 =	vadd.s32 v28, v35;
	v33 =	vld [tilespmem:s25+$0xB0]  }
0x161: {  	v35 =	vmov s29  }
0x162: {  	v35 =	vshrl.u32 v35, $0x3  }
0x163: {  	v35 =	vshll.u32 v35, v17  }
0x164: {  	v35 =	vbroadcast v35, $0x0  }
0x165: {  	[tilespmem:v34+s14+$0x0] =	vst.idx.msk $0xffff, v33  }
0x166: {  	v34 =	vadd.s32 v29, v35;
	v33 =	vld [tilespmem:s25+$0xC0];
	_ =	sdelay $0x4  }
0x167: {  	[tilespmem:v34+s14+$0x0] =	vst.idx.msk $0xffff, v33  }
0x168: {  	s29 =	sadd.s32 $0xF, s26;
	s26 =	smov.u32 s28;
	v34 =	vadd.s32 v30, v35;
	v33 =	vld [tilespmem:s25+$0xD0]  }
0x169: {  	v35 =	vmov s29  }
0x16a: {  	v35 =	vshrl.u32 v35, $0x3  }
0x16b: {  	v35 =	vshll.u32 v35, v17  }
0x16c: {  	v35 =	vbroadcast v35, $0x0  }
0x16d: {  	[tilespmem:v34+s14+$0x0] =	vst.idx.msk $0xffff, v33  }
0x16e: {  	v34 =	vadd.s32 v31, v35;
	v33 =	vld [tilespmem:s25+$0xE0];
	_ =	sdelay $0x2  }
.Ltmp1:
0x16f: {  	(pc) =	sbr.rel @p1 .LBB2_6-.Ltmp1, $4  }
0x170: {  	_ = 	snop  }
0x171: {  	[tilespmem:v34+s14+$0x0] =	vst.idx.msk $0xffff, v33  }
0x172: {  	v34 =	vadd.s32 v32, v35;
	v33 =	vld [tilespmem:s25+$0xF0]  }
0x173: {  	s28 =	sadd.s32 $0x10, s28;
	v35 =	vmov s26  }
0x174: {  	_ = 	snop  }
0x175: {  	v35 =	vshrl.u32 v35, $0x3  }
0x176: {  	v35 =	vshll.u32 v35, v17  }
0x177: {  	v35 =	vbroadcast v35, $0x0  }
0x178: {  	s25 =	sadd.s32 $0x200, s25;
	[tilespmem:v34+s14+$0x0] =	vst.idx.msk $0xffff, v33  }
0x179: {  	v33 =	vld [tilespmem:s25+$0xFFFFFF00];
	v45 =	vadd.s32 v14, v35;
	_ =	sdelay $0x4  }
0x17a: {  	[tilespmem:v45+s14+$0x0] =	vst.idx.msk $0xffff, v33  }
0x17b: {  	s28 =	sadd.s32 $0x1, s26;
	v46 =	vadd.s32 v18, v35;
	v33 =	vld [tilespmem:s25+$0xFFFFFF10]  }
0x17c: {  	v47 =	vmov s28  }
0x17d: {  	v35 =	vshrl.u32 v47, $0x3  }
0x17e: {  	v35 =	vshll.u32 v35, v17  }
0x17f: {  	v35 =	vbroadcast v35, $0x0  }
0x180: {  	[tilespmem:v46+s14+$0x0] =	vst.idx.msk $0xffff, v33  }
0x181: {  	v48 =	vadd.s32 v19, v35;
	v33 =	vld [tilespmem:s25+$0xFFFFFF20];
	_ =	sdelay $0x4  }
0x182: {  	[tilespmem:v48+s14+$0x0] =	vst.idx.msk $0xffff, v33  }
0x183: {  	s31 =	sadd.s32 $0x2, s26;
	v49 =	vadd.s32 v20, v35;
	v33 =	vld [tilespmem:s25+$0xFFFFFF30]  }
0x184: {  	v50 =	vmov s31  }
0x185: {  	v35 =	vshrl.u32 v50, $0x3  }
0x186: {  	v35 =	vshll.u32 v35, v17  }
0x187: {  	v35 =	vbroadcast v35, $0x0  }
0x188: {  	[tilespmem:v49+s14+$0x0] =	vst.idx.msk $0xffff, v33  }
0x189: {  	v51 =	vadd.s32 v21, v35;
	v33 =	vld [tilespmem:s25+$0xFFFFFF40];
	_ =	sdelay $0x4  }
0x18a: {  	[tilespmem:v51+s14+$0x0] =	vst.idx.msk $0xffff, v33  }
0x18b: {  	s29 =	sadd.s32 $0x3, s26;
	v52 =	vadd.s32 v22, v35;
	v33 =	vld [tilespmem:s25+$0xFFFFFF50]  }
0x18c: {  	v53 =	vmov s29  }
0x18d: {  	v35 =	vshrl.u32 v53, $0x3  }
0x18e: {  	v35 =	vshll.u32 v35, v17  }
0x18f: {  	v35 =	vbroadcast v35, $0x0  }
0x190: {  	[tilespmem:v52+s14+$0x0] =	vst.idx.msk $0xffff, v33  }
0x191: {  	v54 =	vadd.s32 v23, v35;
	v33 =	vld [tilespmem:s25+$0xFFFFFF60];
	_ =	sdelay $0x4  }
0x192: {  	[tilespmem:v54+s14+$0x0] =	vst.idx.msk $0xffff, v33  }
0x193: {  	s30 =	sadd.s32 $0x4, s26;
	v55 =	vadd.s32 v24, v35;
	v33 =	vld [tilespmem:s25+$0xFFFFFF70]  }
0x194: {  	v56 =	vmov s30  }
0x195: {  	v35 =	vshrl.u32 v56, $0x3  }
0x196: {  	v35 =	vshll.u32 v35, v17  }
0x197: {  	v35 =	vbroadcast v35, $0x0  }
0x198: {  	[tilespmem:v55+s14+$0x0] =	vst.idx.msk $0xffff, v33  }
0x199: {  	v57 =	vadd.s32 v25, v35;
	v33 =	vld [tilespmem:s25+$0xFFFFFF80];
	_ =	sdelay $0x4  }
0x19a: {  	[tilespmem:v57+s14+$0x0] =	vst.idx.msk $0xffff, v33  }
0x19b: {  	s31 =	sadd.s32 $0x5, s26;
	v58 =	vadd.s32 v26, v35;
	v33 =	vld [tilespmem:s25+$0xFFFFFF90]  }
0x19c: {  	v59 =	vmov s31  }
0x19d: {  	v35 =	vshrl.u32 v59, $0x3  }
0x19e: {  	v35 =	vshll.u32 v35, v17  }
0x19f: {  	v35 =	vbroadcast v35, $0x0  }
0x1a0: {  	[tilespmem:v58+s14+$0x0] =	vst.idx.msk $0xffff, v33  }
0x1a1: {  	v60 =	vadd.s32 v27, v35;
	v33 =	vld [tilespmem:s25+$0xFFFFFFA0];
	_ =	sdelay $0x4  }
0x1a2: {  	[tilespmem:v60+s14+$0x0] =	vst.idx.msk $0xffff, v33  }
0x1a3: {  	s29 =	sadd.s32 $0x6, s26;
	v61 =	vadd.s32 v28, v35;
	v33 =	vld [tilespmem:s25+$0xFFFFFFB0]  }
0x1a4: {  	v62 =	vmov s29  }
0x1a5: {  	v35 =	vshrl.u32 v62, $0x3  }
0x1a6: {  	v35 =	vshll.u32 v35, v17  }
0x1a7: {  	v35 =	vbroadcast v35, $0x0  }
0x1a8: {  	[tilespmem:v61+s14+$0x0] =	vst.idx.msk $0xffff, v33  }
0x1a9: {  	v63 =	vadd.s32 v29, v35;
	v33 =	vld [tilespmem:s25+$0xFFFFFFC0];
	_ =	sdelay $0x4  }
0x1aa: {  	[tilespmem:v63+s14+$0x0] =	vst.idx.msk $0xffff, v33  }
0x1ab: {  	s30 =	sadd.s32 $0x7, s26;
	v36 =	vadd.s32 v30, v35;
	v33 =	vld [tilespmem:s25+$0xFFFFFFD0]  }
0x1ac: {  	v37 =	vmov s30  }
0x1ad: {  	v35 =	vshrl.u32 v37, $0x3  }
0x1ae: {  	v35 =	vshll.u32 v35, v17  }
0x1af: {  	v35 =	vbroadcast v35, $0x0  }
0x1b0: {  	[tilespmem:v36+s14+$0x0] =	vst.idx.msk $0xffff, v33  }
0x1b1: {  	v38 =	vadd.s32 v31, v35;
	v33 =	vld [tilespmem:s25+$0xFFFFFFE0];
	_ =	sdelay $0x4  }
0x1b2: {  	[tilespmem:v38+s14+$0x0] =	vst.idx.msk $0xffff, v33  }
0x1b3: {  	s31 =	sadd.s32 $0x8, s26;
	v39 =	vadd.s32 v32, v35;
	v33 =	vld [tilespmem:s25+$0xFFFFFFF0]  }
0x1b4: {  	v40 =	vmov s31  }
0x1b5: {  	v35 =	vshrl.u32 v40, $0x3  }
0x1b6: {  	v35 =	vshll.u32 v35, v17  }
0x1b7: {  	v35 =	vbroadcast v35, $0x0  }
0x1b8: {  	[tilespmem:v39+s14+$0x0] =	vst.idx.msk $0xffff, v33  }
0x1b9: {  	v41 =	vadd.s32 v14, v35;
	v33 =	vld [tilespmem:s25+$0x0];
	_ =	sdelay $0x4  }
0x1ba: {  	[tilespmem:v41+s14+$0x0] =	vst.idx.msk $0xffff, v33  }
0x1bb: {  	s29 =	sadd.s32 $0x9, s26;
	v42 =	vadd.s32 v18, v35;
	v33 =	vld [tilespmem:s25+$0x10]  }
0x1bc: {  	v43 =	vmov s29  }
0x1bd: {  	v35 =	vshrl.u32 v43, $0x3  }
0x1be: {  	v35 =	vshll.u32 v35, v17  }
0x1bf: {  	v35 =	vbroadcast v35, $0x0  }
0x1c0: {  	[tilespmem:v42+s14+$0x0] =	vst.idx.msk $0xffff, v33  }
0x1c1: {  	v44 =	vadd.s32 v19, v35;
	v33 =	vld [tilespmem:s25+$0x20];
	_ =	sdelay $0x4  }
0x1c2: {  	[tilespmem:v44+s14+$0x0] =	vst.idx.msk $0xffff, v33  }
0x1c3: {  	s30 =	sadd.s32 $0xA, s26;
	v45 =	vadd.s32 v20, v35;
	v33 =	vld [tilespmem:s25+$0x30]  }
0x1c4: {  	v46 =	vmov s30  }
0x1c5: {  	v35 =	vshrl.u32 v46, $0x3  }
0x1c6: {  	v35 =	vshll.u32 v35, v17  }
0x1c7: {  	v35 =	vbroadcast v35, $0x0  }
0x1c8: {  	[tilespmem:v45+s14+$0x0] =	vst.idx.msk $0xffff, v33  }
0x1c9: {  	v47 =	vadd.s32 v21, v35;
	v33 =	vld [tilespmem:s25+$0x40];
	_ =	sdelay $0x4  }
0x1ca: {  	[tilespmem:v47+s14+$0x0] =	vst.idx.msk $0xffff, v33  }
0x1cb: {  	s31 =	sadd.s32 $0xB, s26;
	v48 =	vadd.s32 v22, v35;
	v33 =	vld [tilespmem:s25+$0x50]  }
0x1cc: {  	v49 =	vmov s31  }
0x1cd: {  	v35 =	vshrl.u32 v49, $0x3  }
0x1ce: {  	v35 =	vshll.u32 v35, v17  }
0x1cf: {  	v35 =	vbroadcast v35, $0x0  }
0x1d0: {  	[tilespmem:v48+s14+$0x0] =	vst.idx.msk $0xffff, v33  }
0x1d1: {  	v50 =	vadd.s32 v23, v35;
	v33 =	vld [tilespmem:s25+$0x60];
	_ =	sdelay $0x4  }
0x1d2: {  	[tilespmem:v50+s14+$0x0] =	vst.idx.msk $0xffff, v33  }
0x1d3: {  	s29 =	sadd.s32 $0xC, s26;
	v51 =	vadd.s32 v24, v35;
	v33 =	vld [tilespmem:s25+$0x70]  }
0x1d4: {  	v52 =	vmov s29  }
0x1d5: {  	v35 =	vshrl.u32 v52, $0x3  }
0x1d6: {  	v35 =	vshll.u32 v35, v17  }
0x1d7: {  	v35 =	vbroadcast v35, $0x0  }
0x1d8: {  	[tilespmem:v51+s14+$0x0] =	vst.idx.msk $0xffff, v33  }
0x1d9: {  	v53 =	vadd.s32 v25, v35;
	v33 =	vld [tilespmem:s25+$0x80];
	_ =	sdelay $0x4  }
0x1da: {  	[tilespmem:v53+s14+$0x0] =	vst.idx.msk $0xffff, v33  }
0x1db: {  	s30 =	sadd.s32 $0xD, s26;
	v54 =	vadd.s32 v26, v35;
	v33 =	vld [tilespmem:s25+$0x90]  }
0x1dc: {  	v55 =	vmov s30  }
0x1dd: {  	v35 =	vshrl.u32 v55, $0x3  }
0x1de: {  	v35 =	vshll.u32 v35, v17  }
0x1df: {  	v35 =	vbroadcast v35, $0x0  }
0x1e0: {  	[tilespmem:v54+s14+$0x0] =	vst.idx.msk $0xffff, v33  }
0x1e1: {  	v56 =	vadd.s32 v27, v35;
	v33 =	vld [tilespmem:s25+$0xA0];
	_ =	sdelay $0x4  }
0x1e2: {  	[tilespmem:v56+s14+$0x0] =	vst.idx.msk $0xffff, v33  }
0x1e3: {  	s31 =	sadd.s32 $0xE, s26;
	v57 =	vadd.s32 v28, v35;
	v33 =	vld [tilespmem:s25+$0xB0]  }
0x1e4: {  	v58 =	vmov s31  }
0x1e5: {  	v35 =	vshrl.u32 v58, $0x3  }
0x1e6: {  	v35 =	vshll.u32 v35, v17  }
0x1e7: {  	v35 =	vbroadcast v35, $0x0  }
0x1e8: {  	[tilespmem:v57+s14+$0x0] =	vst.idx.msk $0xffff, v33  }
0x1e9: {  	v59 =	vadd.s32 v29, v35;
	v33 =	vld [tilespmem:s25+$0xC0];
	_ =	sdelay $0x4  }
0x1ea: {  	[tilespmem:v59+s14+$0x0] =	vst.idx.msk $0xffff, v33  }
0x1eb: {  	s29 =	sadd.s32 $0xF, s26;
	v60 =	vadd.s32 v30, v35;
	v33 =	vld [tilespmem:s25+$0xD0]  }
0x1ec: {  	v61 =	vmov s29  }
0x1ed: {  	v35 =	vshrl.u32 v61, $0x3  }
0x1ee: {  	v35 =	vshll.u32 v35, v17  }
0x1ef: {  	v35 =	vbroadcast v35, $0x0  }
0x1f0: {  	[tilespmem:v60+s14+$0x0] =	vst.idx.msk $0xffff, v33  }
0x1f1: {  	v62 =	vadd.s32 v31, v35;
	v33 =	vld [tilespmem:s25+$0xE0];
	_ =	sdelay $0x4  }
0x1f2: {  	[tilespmem:v62+s14+$0x0] =	vst.idx.msk $0xffff, v33  }
0x1f3: {  	v63 =	vadd.s32 v32, v35;
	v33 =	vld [tilespmem:s25+$0xF0];
	_ =	sdelay $0x1  }
0x1f4: {  	s30 =	sshll.u32 s23, $0x14  }
0x1f5: {  	s25 =	sadd.s32 s21, s30  }
0x1f6: {  	s25 =	sshrl.u32 s25, $0x3  }
0x1f7: {  	s26 =	simm.s32 $0x220;
	s31 =	simm.s32 $0x5690;
	s25 =	sadd.s32 s5, s25;
	[tilespmem:v63+s14+$0x0] =	vst.idx.msk $0xffff, v33  }
0x1f8: {  	[hbm4b:s25+s2] =	stream.linear.scatter [tilespmem:s31], [sflag:$0x4], $0x80, $0x38;
	[tilespmem:$0x7890] =	vst v63  }
.LBB2_8:
0x1f9: {  	p1 =	sne.s32 s26, $0x41E0  }
.Ltmp2:
0x1fa: {  	_ = 	snop;
	(pc) =	sbr.rel @p1 .LBB2_8-.Ltmp2, $4  }
0x1fb: {  	_ = 	snop  }
0x1fc: {  	s28 =	sshra.s32 s26, $0x2;
	s26 =	sadd.s32 $0x220, s26  }
0x1fd: {  	s25 =	sadd.s32 $0x800, s25;
	s28 =	sadd.s32 $0x5690, s28  }
0x1fe: {  	[hbm4b:s25+s2] =	stream.linear.scatter [tilespmem:s28], [sflag:$0x4], $0x80, $0x38;
	[tilespmem:$0x7890] =	vst v63  }
0x1ff: {  	p1 =	sne.s32 s23, $0x18  }
.Ltmp3:
0x200: {  	_ = 	snop;
	(pc) =	sbr.rel @p1 .LBB2_11-.Ltmp3, $1  }
0x201: {  	_ =	sdelay $0x3  }
.Ltmp4:
0x202: {  	(pc) =	sbr.rel .LBB2_12-.Ltmp4, $4  }
0x203: {  	_ = 	snop  }
0x204: {  	_ =	swait.ge [sflag:s15], $0x1000  }
0x205: {  	[sflag:s15] =	ssyncset.done $0x0  }
0x206: {  	[sflag:s15] =	ssyncadd.s32 $0xFFFFF000  }
.LBB2_11:
0x207: {  	s25 =	smul.u32 $0x440, s23;
	_ =	sdelay $0x1  }
0x208: {  	s25 =	sshra.s32 s25, $0x2  }
.Ltmp5:
0x209: {  	s25 =	sadd.s32 $0x1D10, s25;
	(pc) =	sbr.rel @p0 .LBB2_13-.Ltmp5, $4  }
0x20a: {  	[tilespmem:s11], [sflag:$0x2] =	stream.indirect.gather [hbm4b:s4+s10], $0x20, s25, s10, $0xb8;
	[tilespmem:$0x7890] =	vst v63  }
0x20b: {  	_ =	swait.ge [sflag:s15], $0x1000  }
0x20c: {  	[sflag:s15] =	ssyncset.done $0x0  }
0x20d: {  	[sflag:s15] =	ssyncadd.s32 $0xFFFFF000  }
.LBB2_12:
0x20e: {  	_ =	swait.ge [sflag:s16], $0x1000  }
0x20f: {  	[sflag:s16] =	ssyncset.done $0x0  }
0x210: {  	[sflag:s16] =	ssyncadd.s32 $0xFFFFF000  }
.LBB2_13:
0x211: {  	s25 =	simm.s32 $0x0  }
0x212: {  	v33 =	vmov s25  }
0x213: {  	v33 =	vshrl.u32 v33, $0x3  }
0x214: {  	v33 =	vshll.u32 v33, v17  }
0x215: {  	v33 =	vbroadcast v33, $0x0  }
0x216: {  	s25 =	simm.s32 $0x4790  }
0x217: {  	v34 =	vld [tilespmem:s25+$0xFFFFFF00];
	v35 =	vadd.s32 v14, v33;
	_ =	sdelay $0x4  }
0x218: {  	[tilespmem:v35+s17+$0x0] =	vst.idx.msk $0xffff, v34  }
0x219: {  	s26 =	simm.s32 $0x1;
	v33 =	vadd.s32 v18, v33;
	v34 =	vld [tilespmem:s25+$0xFFFFFF10]  }
0x21a: {  	v48 =	vmov s26  }
0x21b: {  	v35 =	vshrl.u32 v48, $0x3  }
0x21c: {  	v35 =	vshll.u32 v35, v17  }
0x21d: {  	v35 =	vbroadcast v35, $0x0  }
0x21e: {  	[tilespmem:v33+s17+$0x0] =	vst.idx.msk $0xffff, v34  }
0x21f: {  	v49 =	vadd.s32 v19, v35;
	v33 =	vld [tilespmem:s25+$0xFFFFFF20];
	_ =	sdelay $0x4  }
0x220: {  	[tilespmem:v49+s17+$0x0] =	vst.idx.msk $0xffff, v33  }
0x221: {  	s30 =	simm.s32 $0x2;
	v50 =	vadd.s32 v20, v35;
	v33 =	vld [tilespmem:s25+$0xFFFFFF30]  }
0x222: {  	v51 =	vmov s30  }
0x223: {  	v35 =	vshrl.u32 v51, $0x3  }
0x224: {  	v35 =	vshll.u32 v35, v17  }
0x225: {  	v35 =	vbroadcast v35, $0x0  }
0x226: {  	[tilespmem:v50+s17+$0x0] =	vst.idx.msk $0xffff, v33  }
0x227: {  	v52 =	vadd.s32 v21, v35;
	v33 =	vld [tilespmem:s25+$0xFFFFFF40];
	_ =	sdelay $0x4  }
0x228: {  	[tilespmem:v52+s17+$0x0] =	vst.idx.msk $0xffff, v33  }
0x229: {  	s31 =	simm.s32 $0x3;
	v53 =	vadd.s32 v22, v35;
	v33 =	vld [tilespmem:s25+$0xFFFFFF50]  }
0x22a: {  	v54 =	vmov s31  }
0x22b: {  	v35 =	vshrl.u32 v54, $0x3  }
0x22c: {  	v35 =	vshll.u32 v35, v17  }
0x22d: {  	v35 =	vbroadcast v35, $0x0  }
0x22e: {  	[tilespmem:v53+s17+$0x0] =	vst.idx.msk $0xffff, v33  }
0x22f: {  	v55 =	vadd.s32 v23, v35;
	v33 =	vld [tilespmem:s25+$0xFFFFFF60];
	_ =	sdelay $0x4  }
0x230: {  	[tilespmem:v55+s17+$0x0] =	vst.idx.msk $0xffff, v33  }
0x231: {  	s29 =	simm.s32 $0x4;
	v56 =	vadd.s32 v24, v35;
	v33 =	vld [tilespmem:s25+$0xFFFFFF70]  }
0x232: {  	v57 =	vmov s29  }
0x233: {  	v35 =	vshrl.u32 v57, $0x3  }
0x234: {  	v35 =	vshll.u32 v35, v17  }
0x235: {  	v35 =	vbroadcast v35, $0x0  }
0x236: {  	[tilespmem:v56+s17+$0x0] =	vst.idx.msk $0xffff, v33  }
0x237: {  	v58 =	vadd.s32 v25, v35;
	v33 =	vld [tilespmem:s25+$0xFFFFFF80];
	_ =	sdelay $0x4  }
0x238: {  	[tilespmem:v58+s17+$0x0] =	vst.idx.msk $0xffff, v33  }
0x239: {  	s30 =	simm.s32 $0x5;
	v59 =	vadd.s32 v26, v35;
	v33 =	vld [tilespmem:s25+$0xFFFFFF90]  }
0x23a: {  	v60 =	vmov s30  }
0x23b: {  	v35 =	vshrl.u32 v60, $0x3  }
0x23c: {  	v35 =	vshll.u32 v35, v17  }
0x23d: {  	v35 =	vbroadcast v35, $0x0  }
0x23e: {  	[tilespmem:v59+s17+$0x0] =	vst.idx.msk $0xffff, v33  }
0x23f: {  	v61 =	vadd.s32 v27, v35;
	v33 =	vld [tilespmem:s25+$0xFFFFFFA0];
	_ =	sdelay $0x4  }
0x240: {  	[tilespmem:v61+s17+$0x0] =	vst.idx.msk $0xffff, v33  }
0x241: {  	s31 =	simm.s32 $0x6;
	v62 =	vadd.s32 v28, v35;
	v33 =	vld [tilespmem:s25+$0xFFFFFFB0]  }
0x242: {  	v63 =	vmov s31  }
0x243: {  	v35 =	vshrl.u32 v63, $0x3  }
0x244: {  	v35 =	vshll.u32 v35, v17  }
0x245: {  	v35 =	vbroadcast v35, $0x0  }
0x246: {  	[tilespmem:v62+s17+$0x0] =	vst.idx.msk $0xffff, v33  }
0x247: {  	v36 =	vadd.s32 v29, v35;
	v33 =	vld [tilespmem:s25+$0xFFFFFFC0];
	_ =	sdelay $0x4  }
0x248: {  	[tilespmem:v36+s17+$0x0] =	vst.idx.msk $0xffff, v33  }
0x249: {  	s29 =	simm.s32 $0x7;
	v37 =	vadd.s32 v30, v35;
	v33 =	vld [tilespmem:s25+$0xFFFFFFD0]  }
0x24a: {  	v38 =	vmov s29  }
0x24b: {  	v35 =	vshrl.u32 v38, $0x3  }
0x24c: {  	v35 =	vshll.u32 v35, v17  }
0x24d: {  	v35 =	vbroadcast v35, $0x0  }
0x24e: {  	[tilespmem:v37+s17+$0x0] =	vst.idx.msk $0xffff, v33  }
0x24f: {  	v39 =	vadd.s32 v31, v35;
	v33 =	vld [tilespmem:s25+$0xFFFFFFE0];
	_ =	sdelay $0x4  }
0x250: {  	[tilespmem:v39+s17+$0x0] =	vst.idx.msk $0xffff, v33  }
0x251: {  	s30 =	simm.s32 $0x8;
	v40 =	vadd.s32 v32, v35;
	v33 =	vld [tilespmem:s25+$0xFFFFFFF0]  }
0x252: {  	v41 =	vmov s30  }
0x253: {  	v35 =	vshrl.u32 v41, $0x3  }
0x254: {  	v35 =	vshll.u32 v35, v17  }
0x255: {  	v35 =	vbroadcast v35, $0x0  }
0x256: {  	[tilespmem:v40+s17+$0x0] =	vst.idx.msk $0xffff, v33  }
0x257: {  	v42 =	vadd.s32 v14, v35;
	v33 =	vld [tilespmem:s25+$0x0];
	_ =	sdelay $0x4  }
0x258: {  	[tilespmem:v42+s17+$0x0] =	vst.idx.msk $0xffff, v33  }
0x259: {  	s31 =	simm.s32 $0x9;
	v43 =	vadd.s32 v18, v35;
	v33 =	vld [tilespmem:s25+$0x10]  }
0x25a: {  	v44 =	vmov s31  }
0x25b: {  	v35 =	vshrl.u32 v44, $0x3  }
0x25c: {  	v35 =	vshll.u32 v35, v17  }
0x25d: {  	v35 =	vbroadcast v35, $0x0  }
0x25e: {  	[tilespmem:v43+s17+$0x0] =	vst.idx.msk $0xffff, v33  }
0x25f: {  	v45 =	vadd.s32 v19, v35;
	v33 =	vld [tilespmem:s25+$0x20];
	_ =	sdelay $0x4  }
0x260: {  	[tilespmem:v45+s17+$0x0] =	vst.idx.msk $0xffff, v33  }
0x261: {  	s29 =	simm.s32 $0xA;
	v46 =	vadd.s32 v20, v35;
	v33 =	vld [tilespmem:s25+$0x30]  }
0x262: {  	v47 =	vmov s29  }
0x263: {  	v35 =	vshrl.u32 v47, $0x3  }
0x264: {  	v35 =	vshll.u32 v35, v17  }
0x265: {  	v35 =	vbroadcast v35, $0x0  }
0x266: {  	[tilespmem:v46+s17+$0x0] =	vst.idx.msk $0xffff, v33  }
0x267: {  	v48 =	vadd.s32 v21, v35;
	v33 =	vld [tilespmem:s25+$0x40];
	_ =	sdelay $0x4  }
0x268: {  	[tilespmem:v48+s17+$0x0] =	vst.idx.msk $0xffff, v33  }
0x269: {  	s30 =	simm.s32 $0xB;
	v49 =	vadd.s32 v22, v35;
	v33 =	vld [tilespmem:s25+$0x50]  }
0x26a: {  	v50 =	vmov s30  }
0x26b: {  	v35 =	vshrl.u32 v50, $0x3  }
0x26c: {  	v35 =	vshll.u32 v35, v17  }
0x26d: {  	v35 =	vbroadcast v35, $0x0  }
0x26e: {  	[tilespmem:v49+s17+$0x0] =	vst.idx.msk $0xffff, v33  }
0x26f: {  	v51 =	vadd.s32 v23, v35;
	v33 =	vld [tilespmem:s25+$0x60];
	_ =	sdelay $0x4  }
0x270: {  	[tilespmem:v51+s17+$0x0] =	vst.idx.msk $0xffff, v33  }
0x271: {  	s31 =	simm.s32 $0xC;
	v52 =	vadd.s32 v24, v35;
	v33 =	vld [tilespmem:s25+$0x70]  }
0x272: {  	v53 =	vmov s31  }
0x273: {  	v35 =	vshrl.u32 v53, $0x3  }
0x274: {  	v35 =	vshll.u32 v35, v17  }
0x275: {  	v35 =	vbroadcast v35, $0x0  }
0x276: {  	[tilespmem:v52+s17+$0x0] =	vst.idx.msk $0xffff, v33  }
0x277: {  	v54 =	vadd.s32 v25, v35;
	v33 =	vld [tilespmem:s25+$0x80];
	_ =	sdelay $0x4  }
0x278: {  	[tilespmem:v54+s17+$0x0] =	vst.idx.msk $0xffff, v33  }
0x279: {  	s29 =	simm.s32 $0xD;
	v55 =	vadd.s32 v26, v35;
	v33 =	vld [tilespmem:s25+$0x90]  }
0x27a: {  	v56 =	vmov s29  }
0x27b: {  	v35 =	vshrl.u32 v56, $0x3  }
0x27c: {  	v35 =	vshll.u32 v35, v17  }
0x27d: {  	v35 =	vbroadcast v35, $0x0  }
0x27e: {  	[tilespmem:v55+s17+$0x0] =	vst.idx.msk $0xffff, v33  }
0x27f: {  	v57 =	vadd.s32 v27, v35;
	v33 =	vld [tilespmem:s25+$0xA0];
	_ =	sdelay $0x4  }
0x280: {  	[tilespmem:v57+s17+$0x0] =	vst.idx.msk $0xffff, v33  }
0x281: {  	s30 =	simm.s32 $0xE;
	v58 =	vadd.s32 v28, v35;
	v33 =	vld [tilespmem:s25+$0xB0]  }
0x282: {  	v59 =	vmov s30  }
0x283: {  	v35 =	vshrl.u32 v59, $0x3  }
0x284: {  	v35 =	vshll.u32 v35, v17  }
0x285: {  	v35 =	vbroadcast v35, $0x0  }
0x286: {  	[tilespmem:v58+s17+$0x0] =	vst.idx.msk $0xffff, v33  }
0x287: {  	v60 =	vadd.s32 v29, v35;
	v33 =	vld [tilespmem:s25+$0xC0];
	_ =	sdelay $0x4  }
0x288: {  	[tilespmem:v60+s17+$0x0] =	vst.idx.msk $0xffff, v33  }
0x289: {  	s31 =	simm.s32 $0xF;
	v61 =	vadd.s32 v30, v35;
	v33 =	vld [tilespmem:s25+$0xD0]  }
0x28a: {  	v62 =	vmov s31  }
0x28b: {  	v35 =	vshrl.u32 v62, $0x3  }
0x28c: {  	v35 =	vshll.u32 v35, v17  }
0x28d: {  	v35 =	vbroadcast v35, $0x0  }
0x28e: {  	[tilespmem:v61+s17+$0x0] =	vst.idx.msk $0xffff, v33  }
0x28f: {  	v63 =	vadd.s32 v31, v35;
	v33 =	vld [tilespmem:s25+$0xE0];
	_ =	sdelay $0x4  }
0x290: {  	[tilespmem:v63+s17+$0x0] =	vst.idx.msk $0xffff, v33  }
0x291: {  	s26 =	simm.s32 $0x10;
	v34 =	vadd.s32 v32, v35;
	v33 =	vld [tilespmem:s25+$0xF0]  }
0x292: {  	s28 =	simm.s32 $0x20;
	v35 =	vmov s26  }
.LBB2_14:
0x293: {  	p0 =	slt.u32 s28, $0x70;
	v35 =	vshrl.u32 v35, $0x3  }
0x294: {  	v35 =	vshll.u32 v35, v17  }
0x295: {  	v35 =	vbroadcast v35, $0x0  }
0x296: {  	s25 =	sadd.s32 $0x200, s25;
	[tilespmem:v34+s17+$0x0] =	vst.idx.msk $0xffff, v33  }
0x297: {  	v33 =	vld [tilespmem:s25+$0xFFFFFF00];
	v34 =	vadd.s32 v14, v35;
	_ =	sdelay $0x4  }
0x298: {  	[tilespmem:v34+s17+$0x0] =	vst.idx.msk $0xffff, v33  }
0x299: {  	s29 =	sadd.s32 $0x1, s26;
	v34 =	vadd.s32 v18, v35;
	v33 =	vld [tilespmem:s25+$0xFFFFFF10]  }
0x29a: {  	v35 =	vmov s29  }
0x29b: {  	v35 =	vshrl.u32 v35, $0x3  }
0x29c: {  	v35 =	vshll.u32 v35, v17  }
0x29d: {  	v35 =	vbroadcast v35, $0x0  }
0x29e: {  	[tilespmem:v34+s17+$0x0] =	vst.idx.msk $0xffff, v33  }
0x29f: {  	v34 =	vadd.s32 v19, v35;
	v33 =	vld [tilespmem:s25+$0xFFFFFF20];
	_ =	sdelay $0x4  }
0x2a0: {  	[tilespmem:v34+s17+$0x0] =	vst.idx.msk $0xffff, v33  }
0x2a1: {  	s29 =	sadd.s32 $0x2, s26;
	v34 =	vadd.s32 v20, v35;
	v33 =	vld [tilespmem:s25+$0xFFFFFF30]  }
0x2a2: {  	v35 =	vmov s29  }
0x2a3: {  	v35 =	vshrl.u32 v35, $0x3  }
0x2a4: {  	v35 =	vshll.u32 v35, v17  }
0x2a5: {  	v35 =	vbroadcast v35, $0x0  }
0x2a6: {  	[tilespmem:v34+s17+$0x0] =	vst.idx.msk $0xffff, v33  }
0x2a7: {  	v34 =	vadd.s32 v21, v35;
	v33 =	vld [tilespmem:s25+$0xFFFFFF40];
	_ =	sdelay $0x4  }
0x2a8: {  	[tilespmem:v34+s17+$0x0] =	vst.idx.msk $0xffff, v33  }
0x2a9: {  	s29 =	sadd.s32 $0x3, s26;
	v34 =	vadd.s32 v22, v35;
	v33 =	vld [tilespmem:s25+$0xFFFFFF50]  }
0x2aa: {  	v35 =	vmov s29  }
0x2ab: {  	v35 =	vshrl.u32 v35, $0x3  }
0x2ac: {  	v35 =	vshll.u32 v35, v17  }
0x2ad: {  	v35 =	vbroadcast v35, $0x0  }
0x2ae: {  	[tilespmem:v34+s17+$0x0] =	vst.idx.msk $0xffff, v33  }
0x2af: {  	v34 =	vadd.s32 v23, v35;
	v33 =	vld [tilespmem:s25+$0xFFFFFF60];
	_ =	sdelay $0x4  }
0x2b0: {  	[tilespmem:v34+s17+$0x0] =	vst.idx.msk $0xffff, v33  }
0x2b1: {  	s29 =	sadd.s32 $0x4, s26;
	v34 =	vadd.s32 v24, v35;
	v33 =	vld [tilespmem:s25+$0xFFFFFF70]  }
0x2b2: {  	v35 =	vmov s29  }
0x2b3: {  	v35 =	vshrl.u32 v35, $0x3  }
0x2b4: {  	v35 =	vshll.u32 v35, v17  }
0x2b5: {  	v35 =	vbroadcast v35, $0x0  }
0x2b6: {  	[tilespmem:v34+s17+$0x0] =	vst.idx.msk $0xffff, v33  }
0x2b7: {  	v34 =	vadd.s32 v25, v35;
	v33 =	vld [tilespmem:s25+$0xFFFFFF80];
	_ =	sdelay $0x4  }
0x2b8: {  	[tilespmem:v34+s17+$0x0] =	vst.idx.msk $0xffff, v33  }
0x2b9: {  	s29 =	sadd.s32 $0x5, s26;
	v34 =	vadd.s32 v26, v35;
	v33 =	vld [tilespmem:s25+$0xFFFFFF90]  }
0x2ba: {  	v35 =	vmov s29  }
0x2bb: {  	v35 =	vshrl.u32 v35, $0x3  }
0x2bc: {  	v35 =	vshll.u32 v35, v17  }
0x2bd: {  	v35 =	vbroadcast v35, $0x0  }
0x2be: {  	[tilespmem:v34+s17+$0x0] =	vst.idx.msk $0xffff, v33  }
0x2bf: {  	v34 =	vadd.s32 v27, v35;
	v33 =	vld [tilespmem:s25+$0xFFFFFFA0];
	_ =	sdelay $0x4  }
0x2c0: {  	[tilespmem:v34+s17+$0x0] =	vst.idx.msk $0xffff, v33  }
0x2c1: {  	s29 =	sadd.s32 $0x6, s26;
	v34 =	vadd.s32 v28, v35;
	v33 =	vld [tilespmem:s25+$0xFFFFFFB0]  }
0x2c2: {  	v35 =	vmov s29  }
0x2c3: {  	v35 =	vshrl.u32 v35, $0x3  }
0x2c4: {  	v35 =	vshll.u32 v35, v17  }
0x2c5: {  	v35 =	vbroadcast v35, $0x0  }
0x2c6: {  	[tilespmem:v34+s17+$0x0] =	vst.idx.msk $0xffff, v33  }
0x2c7: {  	v34 =	vadd.s32 v29, v35;
	v33 =	vld [tilespmem:s25+$0xFFFFFFC0];
	_ =	sdelay $0x4  }
0x2c8: {  	[tilespmem:v34+s17+$0x0] =	vst.idx.msk $0xffff, v33  }
0x2c9: {  	s29 =	sadd.s32 $0x7, s26;
	v34 =	vadd.s32 v30, v35;
	v33 =	vld [tilespmem:s25+$0xFFFFFFD0]  }
0x2ca: {  	v35 =	vmov s29  }
0x2cb: {  	v35 =	vshrl.u32 v35, $0x3  }
0x2cc: {  	v35 =	vshll.u32 v35, v17  }
0x2cd: {  	v35 =	vbroadcast v35, $0x0  }
0x2ce: {  	[tilespmem:v34+s17+$0x0] =	vst.idx.msk $0xffff, v33  }
0x2cf: {  	v34 =	vadd.s32 v31, v35;
	v33 =	vld [tilespmem:s25+$0xFFFFFFE0];
	_ =	sdelay $0x4  }
0x2d0: {  	[tilespmem:v34+s17+$0x0] =	vst.idx.msk $0xffff, v33  }
0x2d1: {  	s29 =	sadd.s32 $0x8, s26;
	v34 =	vadd.s32 v32, v35;
	v33 =	vld [tilespmem:s25+$0xFFFFFFF0]  }
0x2d2: {  	v35 =	vmov s29  }
0x2d3: {  	v35 =	vshrl.u32 v35, $0x3  }
0x2d4: {  	v35 =	vshll.u32 v35, v17  }
0x2d5: {  	v35 =	vbroadcast v35, $0x0  }
0x2d6: {  	[tilespmem:v34+s17+$0x0] =	vst.idx.msk $0xffff, v33  }
0x2d7: {  	v34 =	vadd.s32 v14, v35;
	v33 =	vld [tilespmem:s25+$0x0];
	_ =	sdelay $0x4  }
0x2d8: {  	[tilespmem:v34+s17+$0x0] =	vst.idx.msk $0xffff, v33  }
0x2d9: {  	s29 =	sadd.s32 $0x9, s26;
	v34 =	vadd.s32 v18, v35;
	v33 =	vld [tilespmem:s25+$0x10]  }
0x2da: {  	v35 =	vmov s29  }
0x2db: {  	v35 =	vshrl.u32 v35, $0x3  }
0x2dc: {  	v35 =	vshll.u32 v35, v17  }
0x2dd: {  	v35 =	vbroadcast v35, $0x0  }
0x2de: {  	[tilespmem:v34+s17+$0x0] =	vst.idx.msk $0xffff, v33  }
0x2df: {  	v34 =	vadd.s32 v19, v35;
	v33 =	vld [tilespmem:s25+$0x20];
	_ =	sdelay $0x4  }
0x2e0: {  	[tilespmem:v34+s17+$0x0] =	vst.idx.msk $0xffff, v33  }
0x2e1: {  	s29 =	sadd.s32 $0xA, s26;
	v34 =	vadd.s32 v20, v35;
	v33 =	vld [tilespmem:s25+$0x30]  }
0x2e2: {  	v35 =	vmov s29  }
0x2e3: {  	v35 =	vshrl.u32 v35, $0x3  }
0x2e4: {  	v35 =	vshll.u32 v35, v17  }
0x2e5: {  	v35 =	vbroadcast v35, $0x0  }
0x2e6: {  	[tilespmem:v34+s17+$0x0] =	vst.idx.msk $0xffff, v33  }
0x2e7: {  	v34 =	vadd.s32 v21, v35;
	v33 =	vld [tilespmem:s25+$0x40];
	_ =	sdelay $0x4  }
0x2e8: {  	[tilespmem:v34+s17+$0x0] =	vst.idx.msk $0xffff, v33  }
0x2e9: {  	s29 =	sadd.s32 $0xB, s26;
	v34 =	vadd.s32 v22, v35;
	v33 =	vld [tilespmem:s25+$0x50]  }
0x2ea: {  	v35 =	vmov s29  }
0x2eb: {  	v35 =	vshrl.u32 v35, $0x3  }
0x2ec: {  	v35 =	vshll.u32 v35, v17  }
0x2ed: {  	v35 =	vbroadcast v35, $0x0  }
0x2ee: {  	[tilespmem:v34+s17+$0x0] =	vst.idx.msk $0xffff, v33  }
0x2ef: {  	v34 =	vadd.s32 v23, v35;
	v33 =	vld [tilespmem:s25+$0x60];
	_ =	sdelay $0x4  }
0x2f0: {  	[tilespmem:v34+s17+$0x0] =	vst.idx.msk $0xffff, v33  }
0x2f1: {  	s29 =	sadd.s32 $0xC, s26;
	v34 =	vadd.s32 v24, v35;
	v33 =	vld [tilespmem:s25+$0x70]  }
0x2f2: {  	v35 =	vmov s29  }
0x2f3: {  	v35 =	vshrl.u32 v35, $0x3  }
0x2f4: {  	v35 =	vshll.u32 v35, v17  }
0x2f5: {  	v35 =	vbroadcast v35, $0x0  }
0x2f6: {  	[tilespmem:v34+s17+$0x0] =	vst.idx.msk $0xffff, v33  }
0x2f7: {  	v34 =	vadd.s32 v25, v35;
	v33 =	vld [tilespmem:s25+$0x80];
	_ =	sdelay $0x4  }
0x2f8: {  	[tilespmem:v34+s17+$0x0] =	vst.idx.msk $0xffff, v33  }
0x2f9: {  	s29 =	sadd.s32 $0xD, s26;
	v34 =	vadd.s32 v26, v35;
	v33 =	vld [tilespmem:s25+$0x90]  }
0x2fa: {  	v35 =	vmov s29  }
0x2fb: {  	v35 =	vshrl.u32 v35, $0x3  }
0x2fc: {  	v35 =	vshll.u32 v35, v17  }
0x2fd: {  	v35 =	vbroadcast v35, $0x0  }
0x2fe: {  	[tilespmem:v34+s17+$0x0] =	vst.idx.msk $0xffff, v33  }
0x2ff: {  	v34 =	vadd.s32 v27, v35;
	v33 =	vld [tilespmem:s25+$0xA0];
	_ =	sdelay $0x4  }
0x300: {  	[tilespmem:v34+s17+$0x0] =	vst.idx.msk $0xffff, v33  }
0x301: {  	s29 =	sadd.s32 $0xE, s26;
	v34 =	vadd.s32 v28, v35;
	v33 =	vld [tilespmem:s25+$0xB0]  }
0x302: {  	v35 =	vmov s29  }
0x303: {  	v35 =	vshrl.u32 v35, $0x3  }
0x304: {  	v35 =	vshll.u32 v35, v17  }
0x305: {  	v35 =	vbroadcast v35, $0x0  }
0x306: {  	[tilespmem:v34+s17+$0x0] =	vst.idx.msk $0xffff, v33  }
0x307: {  	v34 =	vadd.s32 v29, v35;
	v33 =	vld [tilespmem:s25+$0xC0];
	_ =	sdelay $0x4  }
0x308: {  	[tilespmem:v34+s17+$0x0] =	vst.idx.msk $0xffff, v33  }
0x309: {  	s29 =	sadd.s32 $0xF, s26;
	s26 =	smov.u32 s28;
	v34 =	vadd.s32 v30, v35;
	v33 =	vld [tilespmem:s25+$0xD0]  }
0x30a: {  	v35 =	vmov s29  }
0x30b: {  	v35 =	vshrl.u32 v35, $0x3  }
0x30c: {  	v35 =	vshll.u32 v35, v17  }
0x30d: {  	v35 =	vbroadcast v35, $0x0  }
0x30e: {  	[tilespmem:v34+s17+$0x0] =	vst.idx.msk $0xffff, v33  }
0x30f: {  	v34 =	vadd.s32 v31, v35;
	v33 =	vld [tilespmem:s25+$0xE0];
	_ =	sdelay $0x2  }
.Ltmp6:
0x310: {  	(pc) =	sbr.rel @p0 .LBB2_14-.Ltmp6, $4  }
0x311: {  	_ = 	snop  }
0x312: {  	[tilespmem:v34+s17+$0x0] =	vst.idx.msk $0xffff, v33  }
0x313: {  	v34 =	vadd.s32 v32, v35;
	v33 =	vld [tilespmem:s25+$0xF0]  }
0x314: {  	s28 =	sadd.s32 $0x10, s28;
	v35 =	vmov s26  }
0x315: {  	_ = 	snop  }
0x316: {  	v35 =	vshrl.u32 v35, $0x3  }
0x317: {  	v35 =	vshll.u32 v35, v17  }
0x318: {  	v35 =	vbroadcast v35, $0x0  }
0x319: {  	s25 =	sadd.s32 $0x200, s25;
	[tilespmem:v34+s17+$0x0] =	vst.idx.msk $0xffff, v33  }
0x31a: {  	v33 =	vld [tilespmem:s25+$0xFFFFFF00];
	v45 =	vadd.s32 v14, v35;
	_ =	sdelay $0x4  }
0x31b: {  	[tilespmem:v45+s17+$0x0] =	vst.idx.msk $0xffff, v33  }
0x31c: {  	s28 =	sadd.s32 $0x1, s26;
	v46 =	vadd.s32 v18, v35;
	v33 =	vld [tilespmem:s25+$0xFFFFFF10]  }
0x31d: {  	v47 =	vmov s28  }
0x31e: {  	v35 =	vshrl.u32 v47, $0x3  }
0x31f: {  	v35 =	vshll.u32 v35, v17  }
0x320: {  	v35 =	vbroadcast v35, $0x0  }
0x321: {  	[tilespmem:v46+s17+$0x0] =	vst.idx.msk $0xffff, v33  }
0x322: {  	v48 =	vadd.s32 v19, v35;
	v33 =	vld [tilespmem:s25+$0xFFFFFF20];
	_ =	sdelay $0x4  }
0x323: {  	[tilespmem:v48+s17+$0x0] =	vst.idx.msk $0xffff, v33  }
0x324: {  	s29 =	sadd.s32 $0x2, s26;
	v49 =	vadd.s32 v20, v35;
	v33 =	vld [tilespmem:s25+$0xFFFFFF30]  }
0x325: {  	v50 =	vmov s29  }
0x326: {  	v35 =	vshrl.u32 v50, $0x3  }
0x327: {  	v35 =	vshll.u32 v35, v17  }
0x328: {  	v35 =	vbroadcast v35, $0x0  }
0x329: {  	[tilespmem:v49+s17+$0x0] =	vst.idx.msk $0xffff, v33  }
0x32a: {  	v51 =	vadd.s32 v21, v35;
	v33 =	vld [tilespmem:s25+$0xFFFFFF40];
	_ =	sdelay $0x4  }
0x32b: {  	[tilespmem:v51+s17+$0x0] =	vst.idx.msk $0xffff, v33  }
0x32c: {  	s30 =	sadd.s32 $0x3, s26;
	v52 =	vadd.s32 v22, v35;
	v33 =	vld [tilespmem:s25+$0xFFFFFF50]  }
0x32d: {  	v53 =	vmov s30  }
0x32e: {  	v35 =	vshrl.u32 v53, $0x3  }
0x32f: {  	v35 =	vshll.u32 v35, v17  }
0x330: {  	v35 =	vbroadcast v35, $0x0  }
0x331: {  	[tilespmem:v52+s17+$0x0] =	vst.idx.msk $0xffff, v33  }
0x332: {  	v54 =	vadd.s32 v23, v35;
	v33 =	vld [tilespmem:s25+$0xFFFFFF60];
	_ =	sdelay $0x4  }
0x333: {  	[tilespmem:v54+s17+$0x0] =	vst.idx.msk $0xffff, v33  }
0x334: {  	s31 =	sadd.s32 $0x4, s26;
	v55 =	vadd.s32 v24, v35;
	v33 =	vld [tilespmem:s25+$0xFFFFFF70]  }
0x335: {  	v56 =	vmov s31  }
0x336: {  	v35 =	vshrl.u32 v56, $0x3  }
0x337: {  	v35 =	vshll.u32 v35, v17  }
0x338: {  	v35 =	vbroadcast v35, $0x0  }
0x339: {  	[tilespmem:v55+s17+$0x0] =	vst.idx.msk $0xffff, v33  }
0x33a: {  	v57 =	vadd.s32 v25, v35;
	v33 =	vld [tilespmem:s25+$0xFFFFFF80];
	_ =	sdelay $0x4  }
0x33b: {  	[tilespmem:v57+s17+$0x0] =	vst.idx.msk $0xffff, v33  }
0x33c: {  	s29 =	sadd.s32 $0x5, s26;
	v58 =	vadd.s32 v26, v35;
	v33 =	vld [tilespmem:s25+$0xFFFFFF90]  }
0x33d: {  	v59 =	vmov s29  }
0x33e: {  	v35 =	vshrl.u32 v59, $0x3  }
0x33f: {  	v35 =	vshll.u32 v35, v17  }
0x340: {  	v35 =	vbroadcast v35, $0x0  }
0x341: {  	[tilespmem:v58+s17+$0x0] =	vst.idx.msk $0xffff, v33  }
0x342: {  	v60 =	vadd.s32 v27, v35;
	v33 =	vld [tilespmem:s25+$0xFFFFFFA0];
	_ =	sdelay $0x4  }
0x343: {  	[tilespmem:v60+s17+$0x0] =	vst.idx.msk $0xffff, v33  }
0x344: {  	s30 =	sadd.s32 $0x6, s26;
	v61 =	vadd.s32 v28, v35;
	v33 =	vld [tilespmem:s25+$0xFFFFFFB0]  }
0x345: {  	v62 =	vmov s30  }
0x346: {  	v35 =	vshrl.u32 v62, $0x3  }
0x347: {  	v35 =	vshll.u32 v35, v17  }
0x348: {  	v35 =	vbroadcast v35, $0x0  }
0x349: {  	[tilespmem:v61+s17+$0x0] =	vst.idx.msk $0xffff, v33  }
0x34a: {  	v63 =	vadd.s32 v29, v35;
	v33 =	vld [tilespmem:s25+$0xFFFFFFC0];
	_ =	sdelay $0x4  }
0x34b: {  	[tilespmem:v63+s17+$0x0] =	vst.idx.msk $0xffff, v33  }
0x34c: {  	s31 =	sadd.s32 $0x7, s26;
	v36 =	vadd.s32 v30, v35;
	v33 =	vld [tilespmem:s25+$0xFFFFFFD0]  }
0x34d: {  	v37 =	vmov s31  }
0x34e: {  	v35 =	vshrl.u32 v37, $0x3  }
0x34f: {  	v35 =	vshll.u32 v35, v17  }
0x350: {  	v35 =	vbroadcast v35, $0x0  }
0x351: {  	[tilespmem:v36+s17+$0x0] =	vst.idx.msk $0xffff, v33  }
0x352: {  	v38 =	vadd.s32 v31, v35;
	v33 =	vld [tilespmem:s25+$0xFFFFFFE0];
	_ =	sdelay $0x4  }
0x353: {  	[tilespmem:v38+s17+$0x0] =	vst.idx.msk $0xffff, v33  }
0x354: {  	s29 =	sadd.s32 $0x8, s26;
	v39 =	vadd.s32 v32, v35;
	v33 =	vld [tilespmem:s25+$0xFFFFFFF0]  }
0x355: {  	v40 =	vmov s29  }
0x356: {  	v35 =	vshrl.u32 v40, $0x3  }
0x357: {  	v35 =	vshll.u32 v35, v17  }
0x358: {  	v35 =	vbroadcast v35, $0x0  }
0x359: {  	[tilespmem:v39+s17+$0x0] =	vst.idx.msk $0xffff, v33  }
0x35a: {  	v41 =	vadd.s32 v14, v35;
	v33 =	vld [tilespmem:s25+$0x0];
	_ =	sdelay $0x4  }
0x35b: {  	[tilespmem:v41+s17+$0x0] =	vst.idx.msk $0xffff, v33  }
0x35c: {  	s30 =	sadd.s32 $0x9, s26;
	v42 =	vadd.s32 v18, v35;
	v33 =	vld [tilespmem:s25+$0x10]  }
0x35d: {  	v43 =	vmov s30  }
0x35e: {  	v35 =	vshrl.u32 v43, $0x3  }
0x35f: {  	v35 =	vshll.u32 v35, v17  }
0x360: {  	v35 =	vbroadcast v35, $0x0  }
0x361: {  	[tilespmem:v42+s17+$0x0] =	vst.idx.msk $0xffff, v33  }
0x362: {  	v44 =	vadd.s32 v19, v35;
	v33 =	vld [tilespmem:s25+$0x20];
	_ =	sdelay $0x4  }
0x363: {  	[tilespmem:v44+s17+$0x0] =	vst.idx.msk $0xffff, v33  }
0x364: {  	s31 =	sadd.s32 $0xA, s26;
	v45 =	vadd.s32 v20, v35;
	v33 =	vld [tilespmem:s25+$0x30]  }
0x365: {  	v46 =	vmov s31  }
0x366: {  	v35 =	vshrl.u32 v46, $0x3  }
0x367: {  	v35 =	vshll.u32 v35, v17  }
0x368: {  	v35 =	vbroadcast v35, $0x0  }
0x369: {  	[tilespmem:v45+s17+$0x0] =	vst.idx.msk $0xffff, v33  }
0x36a: {  	v47 =	vadd.s32 v21, v35;
	v33 =	vld [tilespmem:s25+$0x40];
	_ =	sdelay $0x4  }
0x36b: {  	[tilespmem:v47+s17+$0x0] =	vst.idx.msk $0xffff, v33  }
0x36c: {  	s29 =	sadd.s32 $0xB, s26;
	v48 =	vadd.s32 v22, v35;
	v33 =	vld [tilespmem:s25+$0x50]  }
0x36d: {  	v49 =	vmov s29  }
0x36e: {  	v35 =	vshrl.u32 v49, $0x3  }
0x36f: {  	v35 =	vshll.u32 v35, v17  }
0x370: {  	v35 =	vbroadcast v35, $0x0  }
0x371: {  	[tilespmem:v48+s17+$0x0] =	vst.idx.msk $0xffff, v33  }
0x372: {  	v50 =	vadd.s32 v23, v35;
	v33 =	vld [tilespmem:s25+$0x60];
	_ =	sdelay $0x4  }
0x373: {  	[tilespmem:v50+s17+$0x0] =	vst.idx.msk $0xffff, v33  }
0x374: {  	s30 =	sadd.s32 $0xC, s26;
	v51 =	vadd.s32 v24, v35;
	v33 =	vld [tilespmem:s25+$0x70]  }
0x375: {  	v52 =	vmov s30  }
0x376: {  	v35 =	vshrl.u32 v52, $0x3  }
0x377: {  	v35 =	vshll.u32 v35, v17  }
0x378: {  	v35 =	vbroadcast v35, $0x0  }
0x379: {  	[tilespmem:v51+s17+$0x0] =	vst.idx.msk $0xffff, v33  }
0x37a: {  	v53 =	vadd.s32 v25, v35;
	v33 =	vld [tilespmem:s25+$0x80];
	_ =	sdelay $0x4  }
0x37b: {  	[tilespmem:v53+s17+$0x0] =	vst.idx.msk $0xffff, v33  }
0x37c: {  	s31 =	sadd.s32 $0xD, s26;
	v54 =	vadd.s32 v26, v35;
	v33 =	vld [tilespmem:s25+$0x90]  }
0x37d: {  	v55 =	vmov s31  }
0x37e: {  	v35 =	vshrl.u32 v55, $0x3  }
0x37f: {  	v35 =	vshll.u32 v35, v17  }
0x380: {  	v35 =	vbroadcast v35, $0x0  }
0x381: {  	[tilespmem:v54+s17+$0x0] =	vst.idx.msk $0xffff, v33  }
0x382: {  	v56 =	vadd.s32 v27, v35;
	v33 =	vld [tilespmem:s25+$0xA0];
	_ =	sdelay $0x4  }
0x383: {  	[tilespmem:v56+s17+$0x0] =	vst.idx.msk $0xffff, v33  }
0x384: {  	s29 =	sadd.s32 $0xE, s26;
	v57 =	vadd.s32 v28, v35;
	v33 =	vld [tilespmem:s25+$0xB0]  }
0x385: {  	v58 =	vmov s29  }
0x386: {  	v35 =	vshrl.u32 v58, $0x3  }
0x387: {  	v35 =	vshll.u32 v35, v17  }
0x388: {  	v35 =	vbroadcast v35, $0x0  }
0x389: {  	[tilespmem:v57+s17+$0x0] =	vst.idx.msk $0xffff, v33  }
0x38a: {  	v59 =	vadd.s32 v29, v35;
	v33 =	vld [tilespmem:s25+$0xC0];
	_ =	sdelay $0x4  }
0x38b: {  	[tilespmem:v59+s17+$0x0] =	vst.idx.msk $0xffff, v33  }
0x38c: {  	s30 =	sadd.s32 $0xF, s26;
	v60 =	vadd.s32 v30, v35;
	v33 =	vld [tilespmem:s25+$0xD0]  }
0x38d: {  	v61 =	vmov s30  }
0x38e: {  	v35 =	vshrl.u32 v61, $0x3  }
0x38f: {  	v35 =	vshll.u32 v35, v17  }
0x390: {  	v35 =	vbroadcast v35, $0x0  }
0x391: {  	[tilespmem:v60+s17+$0x0] =	vst.idx.msk $0xffff, v33  }
0x392: {  	v62 =	vadd.s32 v31, v35;
	v33 =	vld [tilespmem:s25+$0xE0];
	_ =	sdelay $0x4  }
0x393: {  	[tilespmem:v62+s17+$0x0] =	vst.idx.msk $0xffff, v33  }
0x394: {  	v63 =	vadd.s32 v32, v35;
	v33 =	vld [tilespmem:s25+$0xF0];
	_ =	sdelay $0x1  }
0x395: {  	s24 =	sshll.u32 s24, $0x13  }
0x396: {  	s24 =	sadd.s32 s21, s24  }
0x397: {  	s24 =	sshrl.u32 s24, $0x3  }
0x398: {  	s24 =	sadd.s32 s5, s24;
	s31 =	simm.s32 $0x6790;
	s25 =	simm.s32 $0x220;
	[tilespmem:v63+s17+$0x0] =	vst.idx.msk $0xffff, v33  }
0x399: {  	[hbm4b:s24+s2] =	stream.linear.scatter [tilespmem:s31], [sflag:$0x5], $0x80, $0x38;
	[tilespmem:$0x7890] =	vst v63  }
.LBB2_16:
0x39a: {  	p0 =	sne.s32 s25, $0x41E0  }
.Ltmp7:
0x39b: {  	_ = 	snop;
	(pc) =	sbr.rel @p0 .LBB2_16-.Ltmp7, $4  }
0x39c: {  	_ = 	snop  }
0x39d: {  	s26 =	sshra.s32 s25, $0x2;
	s25 =	sadd.s32 $0x220, s25  }
0x39e: {  	s24 =	sadd.s32 $0x800, s24;
	s26 =	sadd.s32 $0x6790, s26  }
0x39f: {  	[hbm4b:s24+s2] =	stream.linear.scatter [tilespmem:s26], [sflag:$0x5], $0x80, $0x38;
	[tilespmem:$0x7890] =	vst v63  }
0x3a0: {  	s23 =	sadd.s32 $0x1, s23  }
0x3a1: {  	p0 =	sne.s32 s23, $0x19  }
.Ltmp8:
0x3a2: {  	_ = 	snop;
	(pc) =	sbr.rel @p0 .LBB2_5-.Ltmp8, $1  }
0x3a3: {  	_ =	sdelay $0x3  }
0x3a4: {  	s20 =	sadd.s32 $0x1, s20  }
0x3a5: {  	_ =	swait.ge [sflag:s18], $0x1000;
	p0 =	sne.s32 s20, $0x4  }
.Ltmp9:
0x3a6: {  	[sflag:s18] =	ssyncset.done $0x0;
	(pc) =	sbr.rel @p0 .LBB2_2-.Ltmp9, $4  }
0x3a7: {  	[sflag:s18] =	ssyncadd.s32 $0xFFFFF000  }
0x3a8: {  	_ =	swait.ge [sflag:s16], $0x1000  }
0x3a9: {  	[sflag:s16] =	ssyncset.done $0x0  }
0x3aa: {  	[sflag:s16] =	ssyncadd.s32 $0xFFFFF000  }
0x3ab: {  	s19 =	sadd.s32 $0x1, s19  }
0x3ac: {  	p0 =	sne.s32 s19, s7  }
.Ltmp10:
0x3ad: {  	_ = 	snop;
	(pc) =	sbr.rel @p0 .LBB2_1-.Ltmp10, $1  }
0x3ae: {  	_ =	sdelay $0x3  }
0x3af: {  	_ =	sfence.sel $0x180000  }
0x3b0: {  	[bflag:$0x0] =	sbarrier.arrive $0xFFFF  }
0x3b1: {  	p0 =	sne.s32 s3, $0x0;
	_ =	strace $0x90000047  }
0x3b2: {  	s0 =	sadd.s32 @!p0 $0x100000, s0;
	[bflag:$0x2] =	sbarrier.arrive $0xFFFF  }
0x3b3: {  	[sflag:s0] =	ssyncadd.tile.s32 @!p0 $0x1;
	_ =	shalt  }
.Lfunc_end2:
_tile_overlayer_lowered:
.L_overlay_start_2:
0x3b4: {  	(tag) =	ssettag $0x2  }
0x3b5: {  	s0 =	rddreg [dreg:$0x0];
	s2 =	stileid.u32  }
0x3b6: {  	s1 =	rddreg [dreg:$0x1];
	p0 =	sne.s32 s2, $0x0  }
0x3b7: {  	s3 =	rddreg [dreg:$0x2];
	[bflag:$0x3] =	sbarrier.arrive $0xFFFF;
	s2 =	simm.s32 @!p0 $0x1C06  }
0x3b8: {  	[timem:s3], [sflag:s2] =	dma.local @!p0 [hbm:s0], s1  }
0x3b9: {  	s0 =	simm.s32 @!p0 $0x6  }
0x3ba: {  	_ =	swait.ge @!p0 [sflag:s0], s1  }
0x3bb: {  	s1 =	ssub.s32 @!p0 $0x0, s1;
	[sflag:s0] =	ssyncset.done @!p0 $0x0  }
0x3bc: {  	[sflag:s0] =	ssyncadd.s32 @!p0 s1  }
0x3bd: {  	[bflag:$0x3] =	sbarrier.arrive $0xFFFF  }
0x3be: {  	_ =	shalt  }

</sc_bundles>
